<compile_context>
chip_gen: v7x
topology: tpu7x:2x2x1
jax: 0.10.2.dev20260603
libtpu: 0.0.44.dev20260713+nightly
codegen_flags: <defaults>
</compile_context>

<pallas_src>
import functools

import jax
import jax.numpy as jnp
from jax import lax
from jax.experimental import pallas as pl
from jax.experimental.pallas import tpu as pltpu
from jax.experimental.pallas import tpu_sc as plsc

NUM_E = 8
HID = 2048
LANES = 16



def _logits_body(x_ref, w_ref, out_ref):
    lt = lax.dot_general(
        w_ref[...].astype(jnp.bfloat16), x_ref[...].astype(jnp.bfloat16),
        (((1,), (1,)), ((), ())),
        preferred_element_type=jnp.float32,
    )
    out_ref[...] = lt.reshape(out_ref.shape)


def _tc_logits(xf, w, block_m):
    t = xf.shape[0]
    s = 8192
    return pl.pallas_call(
        _logits_body,
        grid=(t // block_m,),
        in_specs=[
            pl.BlockSpec((block_m, HID), lambda i: (i, 0)),
            pl.BlockSpec((NUM_E, HID), lambda i: (0, 0)),
        ],
        out_specs=pl.BlockSpec(
            (1, NUM_E, block_m),
            lambda i, bm=block_m, s_=s: (i // (s // bm), 0, i % (s // bm)),
        ),
        out_shape=jax.ShapeDtypeStruct((t // s, NUM_E, s), jnp.float32),
    )(xf, w)




def _sc_router_body(tpn, logits_hbm, probs_hbm, tp_hbm, ti_hbm,
                    lbuf, pbuf, tpb, tib, sem):
    nc = 2
    wid = lax.axis_index("s") * nc + lax.axis_index("c")
    wpb = 8192 // tpn
    b = wid // wpb
    soff = (wid % wpb) * tpn
    pltpu.async_copy(logits_hbm.at[b, :, pl.ds(soff, tpn)], lbuf, sem).wait()

    def _group(tb):
        ls = [lbuf[e, pl.ds(tb, LANES)] for e in range(NUM_E)]
        m = ls[0]
        for e in range(1, NUM_E):
            m = jnp.maximum(m, ls[e])
        es = [jnp.exp(l - m) for l in ls]
        ssum = es[0]
        for e in range(1, NUM_E):
            ssum = ssum + es[e]
        r = 1.0 / ssum
        for e in range(NUM_E):
            pbuf[e, pl.ds(tb, LANES)] = es[e] * r
        zero = jnp.zeros((LANES,), jnp.int32)
        m1, i1 = ls[0], zero
        m2 = jnp.full((LANES,), -jnp.inf, jnp.float32)
        i2 = zero
        for e in range(1, NUM_E):
            ev = jnp.full((LANES,), e, jnp.int32)
            gt1 = ls[e] > m1
            gt2 = ls[e] > m2
            m2 = jnp.where(gt1, m1, jnp.where(gt2, ls[e], m2))
            i2 = jnp.where(gt1, i1, jnp.where(gt2, ev, i2))
            m1 = jnp.where(gt1, ls[e], m1)
            i1 = jnp.where(gt1, ev, i1)
        tpb[0, pl.ds(tb, LANES)] = jnp.exp(m1 - m) * r
        tpb[1, pl.ds(tb, LANES)] = jnp.exp(m2 - m) * r
        tib[0, pl.ds(tb, LANES)] = i1
        tib[1, pl.ds(tb, LANES)] = i2

    @pl.loop(0, tpn // (2 * LANES))
    def _(g):
        _group(g * (2 * LANES))
        _group(g * (2 * LANES) + LANES)

    copies = [
        pltpu.async_copy(pbuf, probs_hbm.at[b, :, pl.ds(soff, tpn)], sem),
        pltpu.async_copy(tpb, tp_hbm.at[b, :, pl.ds(soff, tpn)], sem),
        pltpu.async_copy(tib, ti_hbm.at[b, :, pl.ds(soff, tpn)], sem),
    ]
    for c in copies:
        c.wait()


def _sc_router(logits_t):
    nb, _, s = logits_t.shape
    tpn = nb * s // 32
    mesh = plsc.VectorSubcoreMesh(core_axis_name="c", subcore_axis_name="s")
    return pl.kernel(
        functools.partial(_sc_router_body, tpn),
        out_type=[
            jax.ShapeDtypeStruct((nb, NUM_E, s), jnp.float32),
            jax.ShapeDtypeStruct((nb, 2, s), jnp.float32),
            jax.ShapeDtypeStruct((nb, 2, s), jnp.int32),
        ],
        mesh=mesh,
        scratch_types=[
            pltpu.VMEM((NUM_E, tpn), jnp.float32),
            pltpu.VMEM((NUM_E, tpn), jnp.float32),
            pltpu.VMEM((2, tpn), jnp.float32),
            pltpu.VMEM((2, tpn), jnp.int32),
            pltpu.SemaphoreType.DMA,
        ],
    )(logits_t)




def kernel(x, W):
    b, s, d = x.shape
    t = b * s
    xf = x.reshape(t, d)
    logits_t = _tc_logits(xf, W, block_m=1024)
    probs_t, tp_t, ti_t = _sc_router(logits_t)
    return (
        jnp.transpose(tp_t, (0, 2, 1)),
        jnp.transpose(ti_t, (0, 2, 1)),
        jnp.transpose(probs_t, (0, 2, 1)),
        jnp.transpose(logits_t, (0, 2, 1)),
    )

# --- scband reference (transcript-rebuilt; emitter-appended) ---
"""Pipeline reference for scband-shadow-router-47794396070044 (READ-ONLY COPY).

The authoritative reference and input builder live on the scoring server;
editing this copy changes nothing except your own understanding.
"""

import jax, jax.numpy as jnp
import numpy as np

NUM_EXPERTS = 8
TOP_K = 2
HIDDEN_DIM = 2048
BATCH = 4
SEQ = 8192


def setup_inputs(seed: int = 0) -> dict:
    key = jax.random.key(seed)
    k1, k2 = jax.random.split(key)
    x = jax.random.normal(k1, (BATCH, SEQ, HIDDEN_DIM), dtype=jnp.float32)
    # router weight: nn.Linear(hidden_dim, num_experts, bias=False) -> W of shape [num_experts, hidden_dim]
    W = jax.random.normal(k2, (NUM_EXPERTS, HIDDEN_DIM), dtype=jnp.float32) * (1.0 / np.sqrt(HIDDEN_DIM))
    return {"x": x, "W": W}


def reference(x, W):
    # logits = self.router(x)  (eval mode: no gumbel noise)
    logits = jnp.einsum('bsd,ed->bse', x, W)
    probs = jax.nn.softmax(logits, axis=-1)
    top_k_p, top_k_i = jax.lax.top_k(probs, TOP_K)
    return (top_k_p, top_k_i, probs, logits)

if __name__ == "__main__":
    import jax
    _d = setup_inputs()
    print(jax.jit(kernel)(*tuple(_d.values())))

</pallas_src>

<mosaic_0001>
#map = affine_map<(d0, d1) -> (0, 0, 0)>
module attributes {stable_mosaic.version = 14 : i64} {
  func.func @_sc_router_body(%arg0: i32, %arg1: i32, %arg2: memref<4x8x8192xf32, #tpu.memory_space<hbm>>, %arg3: memref<4x8x8192xf32, #tpu.memory_space<hbm>>, %arg4: memref<4x2x8192xf32, #tpu.memory_space<hbm>>, %arg5: memref<4x2x8192xi32, #tpu.memory_space<hbm>>, %arg6: memref<8x1024xf32, #tpu.memory_space<vmem>>, %arg7: memref<8x1024xf32, #tpu.memory_space<vmem>>, %arg8: memref<2x1024xf32, #tpu.memory_space<vmem>>, %arg9: memref<2x1024xi32, #tpu.memory_space<vmem>>, %arg10: memref<!tpu.dma_semaphore, #tpu.memory_space<semaphore_mem>>) attributes {dimension_semantics = [#tpu.dimension_semantics<core_parallel>, #tpu.dimension_semantics<subcore_parallel>], iteration_bounds = array<i64: 2, 16>, scalar_prefetch = 0 : i64, scratch_operands = 5 : i64, tpu.core_type = #tpu.core_type<sc_vector_subcore>, window_params = [{transform_indices = #map}, {transform_indices = #map}, {transform_indices = #map}, {transform_indices = #map}]} {
    %mul3A = arith.constant 2 : i32
    %mul3A_0 = arith.muli %arg1, %mul3A : i32
    %add3A = arith.addi %mul3A_0, %arg0 : i32
    %jit3A = arith.constant 8 : i32
    %div3A = arith.divsi %add3A, %jit3A : i32
    %sign3A = arith.constant 0 : i32
    %sign3A_1 = arith.cmpi sgt, %add3A, %sign3A : i32
    %sign3A_2 = arith.extui %sign3A_1 : i1 to i32
    %sign3A_3 = arith.constant 0 : i32
    %sign3A_4 = arith.cmpi slt, %add3A, %sign3A_3 : i32
    %sign3A_5 = arith.extui %sign3A_4 : i1 to i32
    %sign3A_6 = arith.subi %sign3A_2, %sign3A_5 : i32
    %sign3A_7 = arith.constant 0 : i32
    %sign3A_8 = arith.cmpi sgt, %jit3A, %sign3A_7 : i32
    %sign3A_9 = arith.extui %sign3A_8 : i1 to i32
    %sign3A_10 = arith.constant 0 : i32
    %sign3A_11 = arith.cmpi slt, %jit3A, %sign3A_10 : i32
    %sign3A_12 = arith.extui %sign3A_11 : i1 to i32
    %sign3A_13 = arith.subi %sign3A_9, %sign3A_12 : i32
    %ne3A = arith.cmpi ne, %sign3A_6, %sign3A_13 : i32
    %rem3A = arith.remsi %add3A, %jit3A : i32
    %ne3A_14 = arith.constant 0 : i32
    %ne3A_15 = arith.cmpi ne, %rem3A, %ne3A_14 : i32
    %and3A = arith.andi %ne3A, %ne3A_15 : i1
    %sub3A = arith.constant 1 : i32
    %sub3A_16 = arith.subi %div3A, %sub3A : i32
    %select_n3A = arith.select %and3A, %sub3A_16, %div3A : i32
    %jit3A_17 = arith.constant 8 : i32
    %eq3A = arith.constant 0 : i32
    %eq3A_18 = arith.cmpi eq, %jit3A_17, %eq3A : i32
    %jit3A_19 = arith.constant 1 : i32
    %select_n3A_20 = arith.select %eq3A_18, %jit3A_19, %jit3A_17 : i32
    %rem3A_21 = arith.remsi %add3A, %select_n3A_20 : i32
    %ne3A_22 = arith.constant 0 : i32
    %ne3A_23 = arith.cmpi ne, %rem3A_21, %ne3A_22 : i32
    %lt3A = arith.constant 0 : i32
    %lt3A_24 = arith.cmpi slt, %rem3A_21, %lt3A : i32
    %lt3A_25 = arith.constant 0 : i32
    %lt3A_26 = arith.cmpi slt, %select_n3A_20, %lt3A_25 : i32
    %ne3A_27 = arith.xori %lt3A_24, %lt3A_26 : i1
    %and3A_28 = arith.andi %ne3A_27, %ne3A_23 : i1
    %add3A_29 = arith.addi %rem3A_21, %select_n3A_20 : i32
    %select_n3A_30 = arith.select %and3A_28, %add3A_29, %rem3A_21 : i32
    %mul3A_31 = arith.constant 1024 : i32
    %mul3A_32 = arith.muli %select_n3A_30, %mul3A_31 : i32
    %dma_start3A = arith.constant 0 : i32
    %dma_start3A_33 = tpu.memref_slice %arg2[%select_n3A, %dma_start3A, %mul3A_32] : memref<4x8x8192xf32, #tpu.memory_space<hbm>> -> memref<1x8x1024xf32, #tpu.memory_space<hbm>>
    %dma_start3A_34 = tpu.memref_squeeze %dma_start3A_33 : memref<1x8x1024xf32, #tpu.memory_space<hbm>> -> memref<8x1024xf32, #tpu.memory_space<hbm>>
    %dma_start3A_35 = arith.constant 0 : i32
    %dma_start3A_36 = tpu.memref_slice %arg2[%select_n3A, %dma_start3A_35, %mul3A_32] : memref<4x8x8192xf32, #tpu.memory_space<hbm>> -> memref<1x8x1024xf32, #tpu.memory_space<hbm>>
    %dma_start3A_37 = tpu.memref_squeeze %dma_start3A_36 : memref<1x8x1024xf32, #tpu.memory_space<hbm>> -> memref<8x1024xf32, #tpu.memory_space<hbm>>
    tpu.enqueue_dma source(%dma_start3A_37 : memref<8x1024xf32, #tpu.memory_space<hbm>>) target(%arg6 : memref<8x1024xf32, #tpu.memory_space<vmem>>) target_semaphore(%arg10 : memref<!tpu.dma_semaphore, #tpu.memory_space<semaphore_mem>>)
    %dma_wait3A = arith.constant 0 : i32
    %dma_wait3A_38 = tpu.memref_slice %arg2[%select_n3A, %dma_wait3A, %mul3A_32] : memref<4x8x8192xf32, #tpu.memory_space<hbm>> -> memref<1x8x1024xf32, #tpu.memory_space<hbm>>
    %dma_wait3A_39 = tpu.memref_squeeze %dma_wait3A_38 : memref<1x8x1024xf32, #tpu.memory_space<hbm>> -> memref<8x1024xf32, #tpu.memory_space<hbm>>
    %dma_wait3A_40 = arith.constant 0 : i32
    %dma_wait3A_41 = tpu.memref_slice %arg2[%select_n3A, %dma_wait3A_40, %mul3A_32] : memref<4x8x8192xf32, #tpu.memory_space<hbm>> -> memref<1x8x1024xf32, #tpu.memory_space<hbm>>
    %dma_wait3A_42 = tpu.memref_squeeze %dma_wait3A_41 : memref<1x8x1024xf32, #tpu.memory_space<hbm>> -> memref<8x1024xf32, #tpu.memory_space<hbm>>
    tpu.wait_dma2 semaphore(%arg10 : memref<!tpu.dma_semaphore, #tpu.memory_space<semaphore_mem>>) src(%dma_wait3A_42 : memref<8x1024xf32, #tpu.memory_space<hbm>>) dst(%arg6 : memref<8x1024xf32, #tpu.memory_space<vmem>>)
    %scan3A = arith.constant 0 : i32
    %scan3A_43 = arith.constant 32 : i32
    %scan3A_44 = arith.addi %scan3A, %scan3A_43 : i32
    %scan3A_45 = arith.constant 1 : i32
    scf.for %scan3A_83 = %scan3A to %scan3A_44 step %scan3A_45  : i32 {
      %mul3A_84 = arith.constant 1 : i32
      %mul3A_85 = arith.muli %scan3A_83, %mul3A_84 : i32
      %add3A_86 = arith.constant 0 : i32
      %add3A_87 = arith.addi %add3A_86, %mul3A_85 : i32
      %mul3A_88 = arith.constant 32 : i32
      %mul3A_89 = arith.muli %add3A_87, %mul3A_88 : i32
      %get3A = arith.constant 0 : i32
      %get3A_90 = arith.index_cast %get3A : i32 to index
      %get3A_91 = arith.index_cast %mul3A_89 : i32 to index
      %get3A_92 = tpu.vector_load %arg6[%get3A_90, %get3A_91] {strides = array<i32>} : memref<8x1024xf32, #tpu.memory_space<vmem>>, vector<1x16xf32>,
      %get3A_93 = vector.shape_cast %get3A_92 : vector<1x16xf32> to vector<16xf32>
      %get3A_94 = arith.constant 1 : i32
      %get3A_95 = arith.index_cast %get3A_94 : i32 to index
      %get3A_96 = arith.index_cast %mul3A_89 : i32 to index
      %get3A_97 = tpu.vector_load %arg6[%get3A_95, %get3A_96] {strides = array<i32>} : memref<8x1024xf32, #tpu.memory_space<vmem>>, vector<1x16xf32>,
      %get3A_98 = vector.shape_cast %get3A_97 : vector<1x16xf32> to vector<16xf32>
      %get3A_99 = arith.constant 2 : i32
      %get3A_100 = arith.index_cast %get3A_99 : i32 to index
      %get3A_101 = arith.index_cast %mul3A_89 : i32 to index
      %get3A_102 = tpu.vector_load %arg6[%get3A_100, %get3A_101] {strides = array<i32>} : memref<8x1024xf32, #tpu.memory_space<vmem>>, vector<1x16xf32>,
      %get3A_103 = vector.shape_cast %get3A_102 : vector<1x16xf32> to vector<16xf32>
      %get3A_104 = arith.constant 3 : i32
      %get3A_105 = arith.index_cast %get3A_104 : i32 to index
      %get3A_106 = arith.index_cast %mul3A_89 : i32 to index
      %get3A_107 = tpu.vector_load %arg6[%get3A_105, %get3A_106] {strides = array<i32>} : memref<8x1024xf32, #tpu.memory_space<vmem>>, vector<1x16xf32>,
      %get3A_108 = vector.shape_cast %get3A_107 : vector<1x16xf32> to vector<16xf32>
      %get3A_109 = arith.constant 4 : i32
      %get3A_110 = arith.index_cast %get3A_109 : i32 to index
      %get3A_111 = arith.index_cast %mul3A_89 : i32 to index
      %get3A_112 = tpu.vector_load %arg6[%get3A_110, %get3A_111] {strides = array<i32>} : memref<8x1024xf32, #tpu.memory_space<vmem>>, vector<1x16xf32>,
      %get3A_113 = vector.shape_cast %get3A_112 : vector<1x16xf32> to vector<16xf32>
      %get3A_114 = arith.constant 5 : i32
      %get3A_115 = arith.index_cast %get3A_114 : i32 to index
      %get3A_116 = arith.index_cast %mul3A_89 : i32 to index
      %get3A_117 = tpu.vector_load %arg6[%get3A_115, %get3A_116] {strides = array<i32>} : memref<8x1024xf32, #tpu.memory_space<vmem>>, vector<1x16xf32>,
      %get3A_118 = vector.shape_cast %get3A_117 : vector<1x16xf32> to vector<16xf32>
      %get3A_119 = arith.constant 6 : i32
      %get3A_120 = arith.index_cast %get3A_119 : i32 to index
      %get3A_121 = arith.index_cast %mul3A_89 : i32 to index
      %get3A_122 = tpu.vector_load %arg6[%get3A_120, %get3A_121] {strides = array<i32>} : memref<8x1024xf32, #tpu.memory_space<vmem>>, vector<1x16xf32>,
      %get3A_123 = vector.shape_cast %get3A_122 : vector<1x16xf32> to vector<16xf32>
      %get3A_124 = arith.constant 7 : i32
      %get3A_125 = arith.index_cast %get3A_124 : i32 to index
      %get3A_126 = arith.index_cast %mul3A_89 : i32 to index
      %get3A_127 = tpu.vector_load %arg6[%get3A_125, %get3A_126] {strides = array<i32>} : memref<8x1024xf32, #tpu.memory_space<vmem>>, vector<1x16xf32>,
      %get3A_128 = vector.shape_cast %get3A_127 : vector<1x16xf32> to vector<16xf32>
      %max3A = arith.maximumf %get3A_93, %get3A_98 : vector<16xf32>
      %max3A_129 = arith.maximumf %max3A, %get3A_103 : vector<16xf32>
      %max3A_130 = arith.maximumf %max3A_129, %get3A_108 : vector<16xf32>
      %max3A_131 = arith.maximumf %max3A_130, %get3A_113 : vector<16xf32>
      %max3A_132 = arith.maximumf %max3A_131, %get3A_118 : vector<16xf32>
      %max3A_133 = arith.maximumf %max3A_132, %get3A_123 : vector<16xf32>
      %max3A_134 = arith.maximumf %max3A_133, %get3A_128 : vector<16xf32>
      %sub3A_135 = arith.subf %get3A_93, %max3A_134 : vector<16xf32>
      %exp3A = math.exp %sub3A_135 : vector<16xf32>
      %sub3A_136 = arith.subf %get3A_98, %max3A_134 : vector<16xf32>
      %exp3A_137 = math.exp %sub3A_136 : vector<16xf32>
      %sub3A_138 = arith.subf %get3A_103, %max3A_134 : vector<16xf32>
      %exp3A_139 = math.exp %sub3A_138 : vector<16xf32>
      %sub3A_140 = arith.subf %get3A_108, %max3A_134 : vector<16xf32>
      %exp3A_141 = math.exp %sub3A_140 : vector<16xf32>
      %sub3A_142 = arith.subf %get3A_113, %max3A_134 : vector<16xf32>
      %exp3A_143 = math.exp %sub3A_142 : vector<16xf32>
      %sub3A_144 = arith.subf %get3A_118, %max3A_134 : vector<16xf32>
      %exp3A_145 = math.exp %sub3A_144 : vector<16xf32>
      %sub3A_146 = arith.subf %get3A_123, %max3A_134 : vector<16xf32>
      %exp3A_147 = math.exp %sub3A_146 : vector<16xf32>
      %sub3A_148 = arith.subf %get3A_128, %max3A_134 : vector<16xf32>
      %exp3A_149 = math.exp %sub3A_148 : vector<16xf32>
      %add3A_150 = arith.addf %exp3A, %exp3A_137 : vector<16xf32>
      %add3A_151 = arith.addf %add3A_150, %exp3A_139 : vector<16xf32>
      %add3A_152 = arith.addf %add3A_151, %exp3A_141 : vector<16xf32>
      %add3A_153 = arith.addf %add3A_152, %exp3A_143 : vector<16xf32>
      %add3A_154 = arith.addf %add3A_153, %exp3A_145 : vector<16xf32>
      %add3A_155 = arith.addf %add3A_154, %exp3A_147 : vector<16xf32>
      %add3A_156 = arith.addf %add3A_155, %exp3A_149 : vector<16xf32>
      %div3A_157 = arith.constant 1.000000e+00 : f32
      %div3A_158 = vector.broadcast %div3A_157 : f32 to vector<16xf32>
      %div3A_159 = arith.divf %div3A_158, %add3A_156 : vector<16xf32>
      %mul3A_160 = arith.mulf %exp3A, %div3A_159 : vector<16xf32>
      %swap3A = arith.constant 0 : i32
      %swap3A_161 = arith.index_cast %swap3A : i32 to index
      %swap3A_162 = arith.index_cast %mul3A_89 : i32 to index
      %swap3A_163 = tpu.vector_load %arg7[%swap3A_161, %swap3A_162] {strides = array<i32>} : memref<8x1024xf32, #tpu.memory_space<vmem>>, vector<1x16xf32>,
      %swap3A_164 = vector.shape_cast %swap3A_163 : vector<1x16xf32> to vector<16xf32>
      %swap3A_165 = vector.shape_cast %mul3A_160 : vector<16xf32> to vector<1x16xf32>
      tpu.vector_store %arg7[%swap3A_161, %swap3A_162], %swap3A_165 {strides = array<i32>} : memref<8x1024xf32, #tpu.memory_space<vmem>>, vector<1x16xf32>,
      %mul3A_166 = arith.mulf %exp3A_137, %div3A_159 : vector<16xf32>
      %swap3A_167 = arith.constant 1 : i32
      %swap3A_168 = arith.index_cast %swap3A_167 : i32 to index
      %swap3A_169 = arith.index_cast %mul3A_89 : i32 to index
      %swap3A_170 = tpu.vector_load %arg7[%swap3A_168, %swap3A_169] {strides = array<i32>} : memref<8x1024xf32, #tpu.memory_space<vmem>>, vector<1x16xf32>,
      %swap3A_171 = vector.shape_cast %swap3A_170 : vector<1x16xf32> to vector<16xf32>
      %swap3A_172 = vector.shape_cast %mul3A_166 : vector<16xf32> to vector<1x16xf32>
      tpu.vector_store %arg7[%swap3A_168, %swap3A_169], %swap3A_172 {strides = array<i32>} : memref<8x1024xf32, #tpu.memory_space<vmem>>, vector<1x16xf32>,
      %mul3A_173 = arith.mulf %exp3A_139, %div3A_159 : vector<16xf32>
      %swap3A_174 = arith.constant 2 : i32
      %swap3A_175 = arith.index_cast %swap3A_174 : i32 to index
      %swap3A_176 = arith.index_cast %mul3A_89 : i32 to index
      %swap3A_177 = tpu.vector_load %arg7[%swap3A_175, %swap3A_176] {strides = array<i32>} : memref<8x1024xf32, #tpu.memory_space<vmem>>, vector<1x16xf32>,
      %swap3A_178 = vector.shape_cast %swap3A_177 : vector<1x16xf32> to vector<16xf32>
      %swap3A_179 = vector.shape_cast %mul3A_173 : vector<16xf32> to vector<1x16xf32>
      tpu.vector_store %arg7[%swap3A_175, %swap3A_176], %swap3A_179 {strides = array<i32>} : memref<8x1024xf32, #tpu.memory_space<vmem>>, vector<1x16xf32>,
      %mul3A_180 = arith.mulf %exp3A_141, %div3A_159 : vector<16xf32>
      %swap3A_181 = arith.constant 3 : i32
      %swap3A_182 = arith.index_cast %swap3A_181 : i32 to index
      %swap3A_183 = arith.index_cast %mul3A_89 : i32 to index
      %swap3A_184 = tpu.vector_load %arg7[%swap3A_182, %swap3A_183] {strides = array<i32>} : memref<8x1024xf32, #tpu.memory_space<vmem>>, vector<1x16xf32>,
      %swap3A_185 = vector.shape_cast %swap3A_184 : vector<1x16xf32> to vector<16xf32>
      %swap3A_186 = vector.shape_cast %mul3A_180 : vector<16xf32> to vector<1x16xf32>
      tpu.vector_store %arg7[%swap3A_182, %swap3A_183], %swap3A_186 {strides = array<i32>} : memref<8x1024xf32, #tpu.memory_space<vmem>>, vector<1x16xf32>,
      %mul3A_187 = arith.mulf %exp3A_143, %div3A_159 : vector<16xf32>
      %swap3A_188 = arith.constant 4 : i32
      %swap3A_189 = arith.index_cast %swap3A_188 : i32 to index
      %swap3A_190 = arith.index_cast %mul3A_89 : i32 to index
      %swap3A_191 = tpu.vector_load %arg7[%swap3A_189, %swap3A_190] {strides = array<i32>} : memref<8x1024xf32, #tpu.memory_space<vmem>>, vector<1x16xf32>,
      %swap3A_192 = vector.shape_cast %swap3A_191 : vector<1x16xf32> to vector<16xf32>
      %swap3A_193 = vector.shape_cast %mul3A_187 : vector<16xf32> to vector<1x16xf32>
      tpu.vector_store %arg7[%swap3A_189, %swap3A_190], %swap3A_193 {strides = array<i32>} : memref<8x1024xf32, #tpu.memory_space<vmem>>, vector<1x16xf32>,
      %mul3A_194 = arith.mulf %exp3A_145, %div3A_159 : vector<16xf32>
      %swap3A_195 = arith.constant 5 : i32
      %swap3A_196 = arith.index_cast %swap3A_195 : i32 to index
      %swap3A_197 = arith.index_cast %mul3A_89 : i32 to index
      %swap3A_198 = tpu.vector_load %arg7[%swap3A_196, %swap3A_197] {strides = array<i32>} : memref<8x1024xf32, #tpu.memory_space<vmem>>, vector<1x16xf32>,
      %swap3A_199 = vector.shape_cast %swap3A_198 : vector<1x16xf32> to vector<16xf32>
      %swap3A_200 = vector.shape_cast %mul3A_194 : vector<16xf32> to vector<1x16xf32>
      tpu.vector_store %arg7[%swap3A_196, %swap3A_197], %swap3A_200 {strides = array<i32>} : memref<8x1024xf32, #tpu.memory_space<vmem>>, vector<1x16xf32>,
      %mul3A_201 = arith.mulf %exp3A_147, %div3A_159 : vector<16xf32>
      %swap3A_202 = arith.constant 6 : i32
      %swap3A_203 = arith.index_cast %swap3A_202 : i32 to index
      %swap3A_204 = arith.index_cast %mul3A_89 : i32 to index
      %swap3A_205 = tpu.vector_load %arg7[%swap3A_203, %swap3A_204] {strides = array<i32>} : memref<8x1024xf32, #tpu.memory_space<vmem>>, vector<1x16xf32>,
      %swap3A_206 = vector.shape_cast %swap3A_205 : vector<1x16xf32> to vector<16xf32>
      %swap3A_207 = vector.shape_cast %mul3A_201 : vector<16xf32> to vector<1x16xf32>
      tpu.vector_store %arg7[%swap3A_203, %swap3A_204], %swap3A_207 {strides = array<i32>} : memref<8x1024xf32, #tpu.memory_space<vmem>>, vector<1x16xf32>,
      %mul3A_208 = arith.mulf %exp3A_149, %div3A_159 : vector<16xf32>
      %swap3A_209 = arith.constant 7 : i32
      %swap3A_210 = arith.index_cast %swap3A_209 : i32 to index
      %swap3A_211 = arith.index_cast %mul3A_89 : i32 to index
      %swap3A_212 = tpu.vector_load %arg7[%swap3A_210, %swap3A_211] {strides = array<i32>} : memref<8x1024xf32, #tpu.memory_space<vmem>>, vector<1x16xf32>,
      %swap3A_213 = vector.shape_cast %swap3A_212 : vector<1x16xf32> to vector<16xf32>
      %swap3A_214 = vector.shape_cast %mul3A_208 : vector<16xf32> to vector<1x16xf32>
      tpu.vector_store %arg7[%swap3A_210, %swap3A_211], %swap3A_214 {strides = array<i32>} : memref<8x1024xf32, #tpu.memory_space<vmem>>, vector<1x16xf32>,
      %broadcast_in_dim3A = arith.constant 0 : i32
      %broadcast_in_dim3A_215 = vector.broadcast %broadcast_in_dim3A : i32 to vector<16xi32>
      %broadcast_in_dim3A_216 = arith.constant 0xFF800000 : f32
      %broadcast_in_dim3A_217 = vector.broadcast %broadcast_in_dim3A_216 : f32 to vector<16xf32>
      %broadcast_in_dim3A_218 = arith.constant 1 : i32
      %broadcast_in_dim3A_219 = vector.broadcast %broadcast_in_dim3A_218 : i32 to vector<16xi32>
      %gt3A = arith.cmpf ogt, %get3A_98, %get3A_93 : vector<16xf32>
      %gt3A_220 = arith.cmpf ogt, %get3A_98, %broadcast_in_dim3A_217 : vector<16xf32>
      %select_n3A_221 = arith.select %gt3A_220, %get3A_98, %broadcast_in_dim3A_217 : vector<16xi1>, vector<16xf32>
      %select_n3A_222 = arith.select %gt3A, %get3A_93, %select_n3A_221 : vector<16xi1>, vector<16xf32>
      %select_n3A_223 = arith.select %gt3A_220, %broadcast_in_dim3A_219, %broadcast_in_dim3A_215 : vector<16xi1>, vector<16xi32>
      %select_n3A_224 = arith.select %gt3A, %broadcast_in_dim3A_215, %select_n3A_223 : vector<16xi1>, vector<16xi32>
      %select_n3A_225 = arith.select %gt3A, %get3A_98, %get3A_93 : vector<16xi1>, vector<16xf32>
      %select_n3A_226 = arith.select %gt3A, %broadcast_in_dim3A_219, %broadcast_in_dim3A_215 : vector<16xi1>, vector<16xi32>
      %broadcast_in_dim3A_227 = arith.constant 2 : i32
      %broadcast_in_dim3A_228 = vector.broadcast %broadcast_in_dim3A_227 : i32 to vector<16xi32>
      %gt3A_229 = arith.cmpf ogt, %get3A_103, %select_n3A_225 : vector<16xf32>
      %gt3A_230 = arith.cmpf ogt, %get3A_103, %select_n3A_222 : vector<16xf32>
      %select_n3A_231 = arith.select %gt3A_230, %get3A_103, %select_n3A_222 : vector<16xi1>, vector<16xf32>
      %select_n3A_232 = arith.select %gt3A_229, %select_n3A_225, %select_n3A_231 : vector<16xi1>, vector<16xf32>
      %select_n3A_233 = arith.select %gt3A_230, %broadcast_in_dim3A_228, %select_n3A_224 : vector<16xi1>, vector<16xi32>
      %select_n3A_234 = arith.select %gt3A_229, %select_n3A_226, %select_n3A_233 : vector<16xi1>, vector<16xi32>
      %select_n3A_235 = arith.select %gt3A_229, %get3A_103, %select_n3A_225 : vector<16xi1>, vector<16xf32>
      %select_n3A_236 = arith.select %gt3A_229, %broadcast_in_dim3A_228, %select_n3A_226 : vector<16xi1>, vector<16xi32>
      %broadcast_in_dim3A_237 = arith.constant 3 : i32
      %broadcast_in_dim3A_238 = vector.broadcast %broadcast_in_dim3A_237 : i32 to vector<16xi32>
      %gt3A_239 = arith.cmpf ogt, %get3A_108, %select_n3A_235 : vector<16xf32>
      %gt3A_240 = arith.cmpf ogt, %get3A_108, %select_n3A_232 : vector<16xf32>
      %select_n3A_241 = arith.select %gt3A_240, %get3A_108, %select_n3A_232 : vector<16xi1>, vector<16xf32>
      %select_n3A_242 = arith.select %gt3A_239, %select_n3A_235, %select_n3A_241 : vector<16xi1>, vector<16xf32>
      %select_n3A_243 = arith.select %gt3A_240, %broadcast_in_dim3A_238, %select_n3A_234 : vector<16xi1>, vector<16xi32>
      %select_n3A_244 = arith.select %gt3A_239, %select_n3A_236, %select_n3A_243 : vector<16xi1>, vector<16xi32>
      %select_n3A_245 = arith.select %gt3A_239, %get3A_108, %select_n3A_235 : vector<16xi1>, vector<16xf32>
      %select_n3A_246 = arith.select %gt3A_239, %broadcast_in_dim3A_238, %select_n3A_236 : vector<16xi1>, vector<16xi32>
      %broadcast_in_dim3A_247 = arith.constant 4 : i32
      %broadcast_in_dim3A_248 = vector.broadcast %broadcast_in_dim3A_247 : i32 to vector<16xi32>
      %gt3A_249 = arith.cmpf ogt, %get3A_113, %select_n3A_245 : vector<16xf32>
      %gt3A_250 = arith.cmpf ogt, %get3A_113, %select_n3A_242 : vector<16xf32>
      %select_n3A_251 = arith.select %gt3A_250, %get3A_113, %select_n3A_242 : vector<16xi1>, vector<16xf32>
      %select_n3A_252 = arith.select %gt3A_249, %select_n3A_245, %select_n3A_251 : vector<16xi1>, vector<16xf32>
      %select_n3A_253 = arith.select %gt3A_250, %broadcast_in_dim3A_248, %select_n3A_244 : vector<16xi1>, vector<16xi32>
      %select_n3A_254 = arith.select %gt3A_249, %select_n3A_246, %select_n3A_253 : vector<16xi1>, vector<16xi32>
      %select_n3A_255 = arith.select %gt3A_249, %get3A_113, %select_n3A_245 : vector<16xi1>, vector<16xf32>
      %select_n3A_256 = arith.select %gt3A_249, %broadcast_in_dim3A_248, %select_n3A_246 : vector<16xi1>, vector<16xi32>
      %broadcast_in_dim3A_257 = arith.constant 5 : i32
      %broadcast_in_dim3A_258 = vector.broadcast %broadcast_in_dim3A_257 : i32 to vector<16xi32>
      %gt3A_259 = arith.cmpf ogt, %get3A_118, %select_n3A_255 : vector<16xf32>
      %gt3A_260 = arith.cmpf ogt, %get3A_118, %select_n3A_252 : vector<16xf32>
      %select_n3A_261 = arith.select %gt3A_260, %get3A_118, %select_n3A_252 : vector<16xi1>, vector<16xf32>
      %select_n3A_262 = arith.select %gt3A_259, %select_n3A_255, %select_n3A_261 : vector<16xi1>, vector<16xf32>
      %select_n3A_263 = arith.select %gt3A_260, %broadcast_in_dim3A_258, %select_n3A_254 : vector<16xi1>, vector<16xi32>
      %select_n3A_264 = arith.select %gt3A_259, %select_n3A_256, %select_n3A_263 : vector<16xi1>, vector<16xi32>
      %select_n3A_265 = arith.select %gt3A_259, %get3A_118, %select_n3A_255 : vector<16xi1>, vector<16xf32>
      %select_n3A_266 = arith.select %gt3A_259, %broadcast_in_dim3A_258, %select_n3A_256 : vector<16xi1>, vector<16xi32>
      %broadcast_in_dim3A_267 = arith.constant 6 : i32
      %broadcast_in_dim3A_268 = vector.broadcast %broadcast_in_dim3A_267 : i32 to vector<16xi32>
      %gt3A_269 = arith.cmpf ogt, %get3A_123, %select_n3A_265 : vector<16xf32>
      %gt3A_270 = arith.cmpf ogt, %get3A_123, %select_n3A_262 : vector<16xf32>
      %select_n3A_271 = arith.select %gt3A_270, %get3A_123, %select_n3A_262 : vector<16xi1>, vector<16xf32>
      %select_n3A_272 = arith.select %gt3A_269, %select_n3A_265, %select_n3A_271 : vector<16xi1>, vector<16xf32>
      %select_n3A_273 = arith.select %gt3A_270, %broadcast_in_dim3A_268, %select_n3A_264 : vector<16xi1>, vector<16xi32>
      %select_n3A_274 = arith.select %gt3A_269, %select_n3A_266, %select_n3A_273 : vector<16xi1>, vector<16xi32>
      %select_n3A_275 = arith.select %gt3A_269, %get3A_123, %select_n3A_265 : vector<16xi1>, vector<16xf32>
      %select_n3A_276 = arith.select %gt3A_269, %broadcast_in_dim3A_268, %select_n3A_266 : vector<16xi1>, vector<16xi32>
      %broadcast_in_dim3A_277 = arith.constant 7 : i32
      %broadcast_in_dim3A_278 = vector.broadcast %broadcast_in_dim3A_277 : i32 to vector<16xi32>
      %gt3A_279 = arith.cmpf ogt, %get3A_128, %select_n3A_275 : vector<16xf32>
      %gt3A_280 = arith.cmpf ogt, %get3A_128, %select_n3A_272 : vector<16xf32>
      %select_n3A_281 = arith.select %gt3A_280, %get3A_128, %select_n3A_272 : vector<16xi1>, vector<16xf32>
      %select_n3A_282 = arith.select %gt3A_279, %select_n3A_275, %select_n3A_281 : vector<16xi1>, vector<16xf32>
      %select_n3A_283 = arith.select %gt3A_280, %broadcast_in_dim3A_278, %select_n3A_274 : vector<16xi1>, vector<16xi32>
      %select_n3A_284 = arith.select %gt3A_279, %select_n3A_276, %select_n3A_283 : vector<16xi1>, vector<16xi32>
      %select_n3A_285 = arith.select %gt3A_279, %get3A_128, %select_n3A_275 : vector<16xi1>, vector<16xf32>
      %select_n3A_286 = arith.select %gt3A_279, %broadcast_in_dim3A_278, %select_n3A_276 : vector<16xi1>, vector<16xi32>
      %sub3A_287 = arith.subf %select_n3A_285, %max3A_134 : vector<16xf32>
      %exp3A_288 = math.exp %sub3A_287 : vector<16xf32>
      %mul3A_289 = arith.mulf %exp3A_288, %div3A_159 : vector<16xf32>
      %swap3A_290 = arith.constant 0 : i32
      %swap3A_291 = arith.index_cast %swap3A_290 : i32 to index
      %swap3A_292 = arith.index_cast %mul3A_89 : i32 to index
      %swap3A_293 = tpu.vector_load %arg8[%swap3A_291, %swap3A_292] {strides = array<i32>} : memref<2x1024xf32, #tpu.memory_space<vmem>>, vector<1x16xf32>,
      %swap3A_294 = vector.shape_cast %swap3A_293 : vector<1x16xf32> to vector<16xf32>
      %swap3A_295 = vector.shape_cast %mul3A_289 : vector<16xf32> to vector<1x16xf32>
      tpu.vector_store %arg8[%swap3A_291, %swap3A_292], %swap3A_295 {strides = array<i32>} : memref<2x1024xf32, #tpu.memory_space<vmem>>, vector<1x16xf32>,
      %sub3A_296 = arith.subf %select_n3A_282, %max3A_134 : vector<16xf32>
      %exp3A_297 = math.exp %sub3A_296 : vector<16xf32>
      %mul3A_298 = arith.mulf %exp3A_297, %div3A_159 : vector<16xf32>
      %swap3A_299 = arith.constant 1 : i32
      %swap3A_300 = arith.index_cast %swap3A_299 : i32 to index
      %swap3A_301 = arith.index_cast %mul3A_89 : i32 to index
      %swap3A_302 = tpu.vector_load %arg8[%swap3A_300, %swap3A_301] {strides = array<i32>} : memref<2x1024xf32, #tpu.memory_space<vmem>>, vector<1x16xf32>,
      %swap3A_303 = vector.shape_cast %swap3A_302 : vector<1x16xf32> to vector<16xf32>
      %swap3A_304 = vector.shape_cast %mul3A_298 : vector<16xf32> to vector<1x16xf32>
      tpu.vector_store %arg8[%swap3A_300, %swap3A_301], %swap3A_304 {strides = array<i32>} : memref<2x1024xf32, #tpu.memory_space<vmem>>, vector<1x16xf32>,
      %swap3A_305 = arith.constant 0 : i32
      %swap3A_306 = arith.index_cast %swap3A_305 : i32 to index
      %swap3A_307 = arith.index_cast %mul3A_89 : i32 to index
      %swap3A_308 = tpu.vector_load %arg9[%swap3A_306, %swap3A_307] {strides = array<i32>} : memref<2x1024xi32, #tpu.memory_space<vmem>>, vector<1x16xi32>,
      %swap3A_309 = vector.shape_cast %swap3A_308 : vector<1x16xi32> to vector<16xi32>
      %swap3A_310 = vector.shape_cast %select_n3A_286 : vector<16xi32> to vector<1x16xi32>
      tpu.vector_store %arg9[%swap3A_306, %swap3A_307], %swap3A_310 {strides = array<i32>} : memref<2x1024xi32, #tpu.memory_space<vmem>>, vector<1x16xi32>,
      %swap3A_311 = arith.constant 1 : i32
      %swap3A_312 = arith.index_cast %swap3A_311 : i32 to index
      %swap3A_313 = arith.index_cast %mul3A_89 : i32 to index
      %swap3A_314 = tpu.vector_load %arg9[%swap3A_312, %swap3A_313] {strides = array<i32>} : memref<2x1024xi32, #tpu.memory_space<vmem>>, vector<1x16xi32>,
      %swap3A_315 = vector.shape_cast %swap3A_314 : vector<1x16xi32> to vector<16xi32>
      %swap3A_316 = vector.shape_cast %select_n3A_284 : vector<16xi32> to vector<1x16xi32>
      tpu.vector_store %arg9[%swap3A_312, %swap3A_313], %swap3A_316 {strides = array<i32>} : memref<2x1024xi32, #tpu.memory_space<vmem>>, vector<1x16xi32>,
      %mul3A_317 = arith.constant 32 : i32
      %mul3A_318 = arith.muli %add3A_87, %mul3A_317 : i32
      %add3A_319 = arith.constant 16 : i32
      %add3A_320 = arith.addi %mul3A_318, %add3A_319 : i32
      %get3A_321 = arith.constant 0 : i32
      %get3A_322 = arith.index_cast %get3A_321 : i32 to index
      %get3A_323 = arith.index_cast %add3A_320 : i32 to index
      %get3A_324 = tpu.vector_load %arg6[%get3A_322, %get3A_323] {strides = array<i32>} : memref<8x1024xf32, #tpu.memory_space<vmem>>, vector<1x16xf32>,
      %get3A_325 = vector.shape_cast %get3A_324 : vector<1x16xf32> to vector<16xf32>
      %get3A_326 = arith.constant 1 : i32
      %get3A_327 = arith.index_cast %get3A_326 : i32 to index
      %get3A_328 = arith.index_cast %add3A_320 : i32 to index
      %get3A_329 = tpu.vector_load %arg6[%get3A_327, %get3A_328] {strides = array<i32>} : memref<8x1024xf32, #tpu.memory_space<vmem>>, vector<1x16xf32>,
      %get3A_330 = vector.shape_cast %get3A_329 : vector<1x16xf32> to vector<16xf32>
      %get3A_331 = arith.constant 2 : i32
      %get3A_332 = arith.index_cast %get3A_331 : i32 to index
      %get3A_333 = arith.index_cast %add3A_320 : i32 to index
      %get3A_334 = tpu.vector_load %arg6[%get3A_332, %get3A_333] {strides = array<i32>} : memref<8x1024xf32, #tpu.memory_space<vmem>>, vector<1x16xf32>,
      %get3A_335 = vector.shape_cast %get3A_334 : vector<1x16xf32> to vector<16xf32>
      %get3A_336 = arith.constant 3 : i32
      %get3A_337 = arith.index_cast %get3A_336 : i32 to index
      %get3A_338 = arith.index_cast %add3A_320 : i32 to index
      %get3A_339 = tpu.vector_load %arg6[%get3A_337, %get3A_338] {strides = array<i32>} : memref<8x1024xf32, #tpu.memory_space<vmem>>, vector<1x16xf32>,
      %get3A_340 = vector.shape_cast %get3A_339 : vector<1x16xf32> to vector<16xf32>
      %get3A_341 = arith.constant 4 : i32
      %get3A_342 = arith.index_cast %get3A_341 : i32 to index
      %get3A_343 = arith.index_cast %add3A_320 : i32 to index
      %get3A_344 = tpu.vector_load %arg6[%get3A_342, %get3A_343] {strides = array<i32>} : memref<8x1024xf32, #tpu.memory_space<vmem>>, vector<1x16xf32>,
      %get3A_345 = vector.shape_cast %get3A_344 : vector<1x16xf32> to vector<16xf32>
      %get3A_346 = arith.constant 5 : i32
      %get3A_347 = arith.index_cast %get3A_346 : i32 to index
      %get3A_348 = arith.index_cast %add3A_320 : i32 to index
      %get3A_349 = tpu.vector_load %arg6[%get3A_347, %get3A_348] {strides = array<i32>} : memref<8x1024xf32, #tpu.memory_space<vmem>>, vector<1x16xf32>,
      %get3A_350 = vector.shape_cast %get3A_349 : vector<1x16xf32> to vector<16xf32>
      %get3A_351 = arith.constant 6 : i32
      %get3A_352 = arith.index_cast %get3A_351 : i32 to index
      %get3A_353 = arith.index_cast %add3A_320 : i32 to index
      %get3A_354 = tpu.vector_load %arg6[%get3A_352, %get3A_353] {strides = array<i32>} : memref<8x1024xf32, #tpu.memory_space<vmem>>, vector<1x16xf32>,
      %get3A_355 = vector.shape_cast %get3A_354 : vector<1x16xf32> to vector<16xf32>
      %get3A_356 = arith.constant 7 : i32
      %get3A_357 = arith.index_cast %get3A_356 : i32 to index
      %get3A_358 = arith.index_cast %add3A_320 : i32 to index
      %get3A_359 = tpu.vector_load %arg6[%get3A_357, %get3A_358] {strides = array<i32>} : memref<8x1024xf32, #tpu.memory_space<vmem>>, vector<1x16xf32>,
      %get3A_360 = vector.shape_cast %get3A_359 : vector<1x16xf32> to vector<16xf32>
      %max3A_361 = arith.maximumf %get3A_325, %get3A_330 : vector<16xf32>
      %max3A_362 = arith.maximumf %max3A_361, %get3A_335 : vector<16xf32>
      %max3A_363 = arith.maximumf %max3A_362, %get3A_340 : vector<16xf32>
      %max3A_364 = arith.maximumf %max3A_363, %get3A_345 : vector<16xf32>
      %max3A_365 = arith.maximumf %max3A_364, %get3A_350 : vector<16xf32>
      %max3A_366 = arith.maximumf %max3A_365, %get3A_355 : vector<16xf32>
      %max3A_367 = arith.maximumf %max3A_366, %get3A_360 : vector<16xf32>
      %sub3A_368 = arith.subf %get3A_325, %max3A_367 : vector<16xf32>
      %exp3A_369 = math.exp %sub3A_368 : vector<16xf32>
      %sub3A_370 = arith.subf %get3A_330, %max3A_367 : vector<16xf32>
      %exp3A_371 = math.exp %sub3A_370 : vector<16xf32>
      %sub3A_372 = arith.subf %get3A_335, %max3A_367 : vector<16xf32>
      %exp3A_373 = math.exp %sub3A_372 : vector<16xf32>
      %sub3A_374 = arith.subf %get3A_340, %max3A_367 : vector<16xf32>
      %exp3A_375 = math.exp %sub3A_374 : vector<16xf32>
      %sub3A_376 = arith.subf %get3A_345, %max3A_367 : vector<16xf32>
      %exp3A_377 = math.exp %sub3A_376 : vector<16xf32>
      %sub3A_378 = arith.subf %get3A_350, %max3A_367 : vector<16xf32>
      %exp3A_379 = math.exp %sub3A_378 : vector<16xf32>
      %sub3A_380 = arith.subf %get3A_355, %max3A_367 : vector<16xf32>
      %exp3A_381 = math.exp %sub3A_380 : vector<16xf32>
      %sub3A_382 = arith.subf %get3A_360, %max3A_367 : vector<16xf32>
      %exp3A_383 = math.exp %sub3A_382 : vector<16xf32>
      %add3A_384 = arith.addf %exp3A_369, %exp3A_371 : vector<16xf32>
      %add3A_385 = arith.addf %add3A_384, %exp3A_373 : vector<16xf32>
      %add3A_386 = arith.addf %add3A_385, %exp3A_375 : vector<16xf32>
      %add3A_387 = arith.addf %add3A_386, %exp3A_377 : vector<16xf32>
      %add3A_388 = arith.addf %add3A_387, %exp3A_379 : vector<16xf32>
      %add3A_389 = arith.addf %add3A_388, %exp3A_381 : vector<16xf32>
      %add3A_390 = arith.addf %add3A_389, %exp3A_383 : vector<16xf32>
      %div3A_391 = arith.constant 1.000000e+00 : f32
      %div3A_392 = vector.broadcast %div3A_391 : f32 to vector<16xf32>
      %div3A_393 = arith.divf %div3A_392, %add3A_390 : vector<16xf32>
      %mul3A_394 = arith.mulf %exp3A_369, %div3A_393 : vector<16xf32>
      %swap3A_395 = arith.constant 0 : i32
      %swap3A_396 = arith.index_cast %swap3A_395 : i32 to index
      %swap3A_397 = arith.index_cast %add3A_320 : i32 to index
      %swap3A_398 = tpu.vector_load %arg7[%swap3A_396, %swap3A_397] {strides = array<i32>} : memref<8x1024xf32, #tpu.memory_space<vmem>>, vector<1x16xf32>,
      %swap3A_399 = vector.shape_cast %swap3A_398 : vector<1x16xf32> to vector<16xf32>
      %swap3A_400 = vector.shape_cast %mul3A_394 : vector<16xf32> to vector<1x16xf32>
      tpu.vector_store %arg7[%swap3A_396, %swap3A_397], %swap3A_400 {strides = array<i32>} : memref<8x1024xf32, #tpu.memory_space<vmem>>, vector<1x16xf32>,
      %mul3A_401 = arith.mulf %exp3A_371, %div3A_393 : vector<16xf32>
      %swap3A_402 = arith.constant 1 : i32
      %swap3A_403 = arith.index_cast %swap3A_402 : i32 to index
      %swap3A_404 = arith.index_cast %add3A_320 : i32 to index
      %swap3A_405 = tpu.vector_load %arg7[%swap3A_403, %swap3A_404] {strides = array<i32>} : memref<8x1024xf32, #tpu.memory_space<vmem>>, vector<1x16xf32>,
      %swap3A_406 = vector.shape_cast %swap3A_405 : vector<1x16xf32> to vector<16xf32>
      %swap3A_407 = vector.shape_cast %mul3A_401 : vector<16xf32> to vector<1x16xf32>
      tpu.vector_store %arg7[%swap3A_403, %swap3A_404], %swap3A_407 {strides = array<i32>} : memref<8x1024xf32, #tpu.memory_space<vmem>>, vector<1x16xf32>,
      %mul3A_408 = arith.mulf %exp3A_373, %div3A_393 : vector<16xf32>
      %swap3A_409 = arith.constant 2 : i32
      %swap3A_410 = arith.index_cast %swap3A_409 : i32 to index
      %swap3A_411 = arith.index_cast %add3A_320 : i32 to index
      %swap3A_412 = tpu.vector_load %arg7[%swap3A_410, %swap3A_411] {strides = array<i32>} : memref<8x1024xf32, #tpu.memory_space<vmem>>, vector<1x16xf32>,
      %swap3A_413 = vector.shape_cast %swap3A_412 : vector<1x16xf32> to vector<16xf32>
      %swap3A_414 = vector.shape_cast %mul3A_408 : vector<16xf32> to vector<1x16xf32>
      tpu.vector_store %arg7[%swap3A_410, %swap3A_411], %swap3A_414 {strides = array<i32>} : memref<8x1024xf32, #tpu.memory_space<vmem>>, vector<1x16xf32>,
      %mul3A_415 = arith.mulf %exp3A_375, %div3A_393 : vector<16xf32>
      %swap3A_416 = arith.constant 3 : i32
      %swap3A_417 = arith.index_cast %swap3A_416 : i32 to index
      %swap3A_418 = arith.index_cast %add3A_320 : i32 to index
      %swap3A_419 = tpu.vector_load %arg7[%swap3A_417, %swap3A_418] {strides = array<i32>} : memref<8x1024xf32, #tpu.memory_space<vmem>>, vector<1x16xf32>,
      %swap3A_420 = vector.shape_cast %swap3A_419 : vector<1x16xf32> to vector<16xf32>
      %swap3A_421 = vector.shape_cast %mul3A_415 : vector<16xf32> to vector<1x16xf32>
      tpu.vector_store %arg7[%swap3A_417, %swap3A_418], %swap3A_421 {strides = array<i32>} : memref<8x1024xf32, #tpu.memory_space<vmem>>, vector<1x16xf32>,
      %mul3A_422 = arith.mulf %exp3A_377, %div3A_393 : vector<16xf32>
      %swap3A_423 = arith.constant 4 : i32
      %swap3A_424 = arith.index_cast %swap3A_423 : i32 to index
      %swap3A_425 = arith.index_cast %add3A_320 : i32 to index
      %swap3A_426 = tpu.vector_load %arg7[%swap3A_424, %swap3A_425] {strides = array<i32>} : memref<8x1024xf32, #tpu.memory_space<vmem>>, vector<1x16xf32>,
      %swap3A_427 = vector.shape_cast %swap3A_426 : vector<1x16xf32> to vector<16xf32>
      %swap3A_428 = vector.shape_cast %mul3A_422 : vector<16xf32> to vector<1x16xf32>
      tpu.vector_store %arg7[%swap3A_424, %swap3A_425], %swap3A_428 {strides = array<i32>} : memref<8x1024xf32, #tpu.memory_space<vmem>>, vector<1x16xf32>,
      %mul3A_429 = arith.mulf %exp3A_379, %div3A_393 : vector<16xf32>
      %swap3A_430 = arith.constant 5 : i32
      %swap3A_431 = arith.index_cast %swap3A_430 : i32 to index
      %swap3A_432 = arith.index_cast %add3A_320 : i32 to index
      %swap3A_433 = tpu.vector_load %arg7[%swap3A_431, %swap3A_432] {strides = array<i32>} : memref<8x1024xf32, #tpu.memory_space<vmem>>, vector<1x16xf32>,
      %swap3A_434 = vector.shape_cast %swap3A_433 : vector<1x16xf32> to vector<16xf32>
      %swap3A_435 = vector.shape_cast %mul3A_429 : vector<16xf32> to vector<1x16xf32>
      tpu.vector_store %arg7[%swap3A_431, %swap3A_432], %swap3A_435 {strides = array<i32>} : memref<8x1024xf32, #tpu.memory_space<vmem>>, vector<1x16xf32>,
      %mul3A_436 = arith.mulf %exp3A_381, %div3A_393 : vector<16xf32>
      %swap3A_437 = arith.constant 6 : i32
      %swap3A_438 = arith.index_cast %swap3A_437 : i32 to index
      %swap3A_439 = arith.index_cast %add3A_320 : i32 to index
      %swap3A_440 = tpu.vector_load %arg7[%swap3A_438, %swap3A_439] {strides = array<i32>} : memref<8x1024xf32, #tpu.memory_space<vmem>>, vector<1x16xf32>,
      %swap3A_441 = vector.shape_cast %swap3A_440 : vector<1x16xf32> to vector<16xf32>
      %swap3A_442 = vector.shape_cast %mul3A_436 : vector<16xf32> to vector<1x16xf32>
      tpu.vector_store %arg7[%swap3A_438, %swap3A_439], %swap3A_442 {strides = array<i32>} : memref<8x1024xf32, #tpu.memory_space<vmem>>, vector<1x16xf32>,
      %mul3A_443 = arith.mulf %exp3A_383, %div3A_393 : vector<16xf32>
      %swap3A_444 = arith.constant 7 : i32
      %swap3A_445 = arith.index_cast %swap3A_444 : i32 to index
      %swap3A_446 = arith.index_cast %add3A_320 : i32 to index
      %swap3A_447 = tpu.vector_load %arg7[%swap3A_445, %swap3A_446] {strides = array<i32>} : memref<8x1024xf32, #tpu.memory_space<vmem>>, vector<1x16xf32>,
      %swap3A_448 = vector.shape_cast %swap3A_447 : vector<1x16xf32> to vector<16xf32>
      %swap3A_449 = vector.shape_cast %mul3A_443 : vector<16xf32> to vector<1x16xf32>
      tpu.vector_store %arg7[%swap3A_445, %swap3A_446], %swap3A_449 {strides = array<i32>} : memref<8x1024xf32, #tpu.memory_space<vmem>>, vector<1x16xf32>,
      %broadcast_in_dim3A_450 = arith.constant 0 : i32
      %broadcast_in_dim3A_451 = vector.broadcast %broadcast_in_dim3A_450 : i32 to vector<16xi32>
      %broadcast_in_dim3A_452 = arith.constant 0xFF800000 : f32
      %broadcast_in_dim3A_453 = vector.broadcast %broadcast_in_dim3A_452 : f32 to vector<16xf32>
      %broadcast_in_dim3A_454 = arith.constant 1 : i32
      %broadcast_in_dim3A_455 = vector.broadcast %broadcast_in_dim3A_454 : i32 to vector<16xi32>
      %gt3A_456 = arith.cmpf ogt, %get3A_330, %get3A_325 : vector<16xf32>
      %gt3A_457 = arith.cmpf ogt, %get3A_330, %broadcast_in_dim3A_453 : vector<16xf32>
      %select_n3A_458 = arith.select %gt3A_457, %get3A_330, %broadcast_in_dim3A_453 : vector<16xi1>, vector<16xf32>
      %select_n3A_459 = arith.select %gt3A_456, %get3A_325, %select_n3A_458 : vector<16xi1>, vector<16xf32>
      %select_n3A_460 = arith.select %gt3A_457, %broadcast_in_dim3A_455, %broadcast_in_dim3A_451 : vector<16xi1>, vector<16xi32>
      %select_n3A_461 = arith.select %gt3A_456, %broadcast_in_dim3A_451, %select_n3A_460 : vector<16xi1>, vector<16xi32>
      %select_n3A_462 = arith.select %gt3A_456, %get3A_330, %get3A_325 : vector<16xi1>, vector<16xf32>
      %select_n3A_463 = arith.select %gt3A_456, %broadcast_in_dim3A_455, %broadcast_in_dim3A_451 : vector<16xi1>, vector<16xi32>
      %broadcast_in_dim3A_464 = arith.constant 2 : i32
      %broadcast_in_dim3A_465 = vector.broadcast %broadcast_in_dim3A_464 : i32 to vector<16xi32>
      %gt3A_466 = arith.cmpf ogt, %get3A_335, %select_n3A_462 : vector<16xf32>
      %gt3A_467 = arith.cmpf ogt, %get3A_335, %select_n3A_459 : vector<16xf32>
      %select_n3A_468 = arith.select %gt3A_467, %get3A_335, %select_n3A_459 : vector<16xi1>, vector<16xf32>
      %select_n3A_469 = arith.select %gt3A_466, %select_n3A_462, %select_n3A_468 : vector<16xi1>, vector<16xf32>
      %select_n3A_470 = arith.select %gt3A_467, %broadcast_in_dim3A_465, %select_n3A_461 : vector<16xi1>, vector<16xi32>
      %select_n3A_471 = arith.select %gt3A_466, %select_n3A_463, %select_n3A_470 : vector<16xi1>, vector<16xi32>
      %select_n3A_472 = arith.select %gt3A_466, %get3A_335, %select_n3A_462 : vector<16xi1>, vector<16xf32>
      %select_n3A_473 = arith.select %gt3A_466, %broadcast_in_dim3A_465, %select_n3A_463 : vector<16xi1>, vector<16xi32>
      %broadcast_in_dim3A_474 = arith.constant 3 : i32
      %broadcast_in_dim3A_475 = vector.broadcast %broadcast_in_dim3A_474 : i32 to vector<16xi32>
      %gt3A_476 = arith.cmpf ogt, %get3A_340, %select_n3A_472 : vector<16xf32>
      %gt3A_477 = arith.cmpf ogt, %get3A_340, %select_n3A_469 : vector<16xf32>
      %select_n3A_478 = arith.select %gt3A_477, %get3A_340, %select_n3A_469 : vector<16xi1>, vector<16xf32>
      %select_n3A_479 = arith.select %gt3A_476, %select_n3A_472, %select_n3A_478 : vector<16xi1>, vector<16xf32>
      %select_n3A_480 = arith.select %gt3A_477, %broadcast_in_dim3A_475, %select_n3A_471 : vector<16xi1>, vector<16xi32>
      %select_n3A_481 = arith.select %gt3A_476, %select_n3A_473, %select_n3A_480 : vector<16xi1>, vector<16xi32>
      %select_n3A_482 = arith.select %gt3A_476, %get3A_340, %select_n3A_472 : vector<16xi1>, vector<16xf32>
      %select_n3A_483 = arith.select %gt3A_476, %broadcast_in_dim3A_475, %select_n3A_473 : vector<16xi1>, vector<16xi32>
      %broadcast_in_dim3A_484 = arith.constant 4 : i32
      %broadcast_in_dim3A_485 = vector.broadcast %broadcast_in_dim3A_484 : i32 to vector<16xi32>
      %gt3A_486 = arith.cmpf ogt, %get3A_345, %select_n3A_482 : vector<16xf32>
      %gt3A_487 = arith.cmpf ogt, %get3A_345, %select_n3A_479 : vector<16xf32>
      %select_n3A_488 = arith.select %gt3A_487, %get3A_345, %select_n3A_479 : vector<16xi1>, vector<16xf32>
      %select_n3A_489 = arith.select %gt3A_486, %select_n3A_482, %select_n3A_488 : vector<16xi1>, vector<16xf32>
      %select_n3A_490 = arith.select %gt3A_487, %broadcast_in_dim3A_485, %select_n3A_481 : vector<16xi1>, vector<16xi32>
      %select_n3A_491 = arith.select %gt3A_486, %select_n3A_483, %select_n3A_490 : vector<16xi1>, vector<16xi32>
      %select_n3A_492 = arith.select %gt3A_486, %get3A_345, %select_n3A_482 : vector<16xi1>, vector<16xf32>
      %select_n3A_493 = arith.select %gt3A_486, %broadcast_in_dim3A_485, %select_n3A_483 : vector<16xi1>, vector<16xi32>
      %broadcast_in_dim3A_494 = arith.constant 5 : i32
      %broadcast_in_dim3A_495 = vector.broadcast %broadcast_in_dim3A_494 : i32 to vector<16xi32>
      %gt3A_496 = arith.cmpf ogt, %get3A_350, %select_n3A_492 : vector<16xf32>
      %gt3A_497 = arith.cmpf ogt, %get3A_350, %select_n3A_489 : vector<16xf32>
      %select_n3A_498 = arith.select %gt3A_497, %get3A_350, %select_n3A_489 : vector<16xi1>, vector<16xf32>
      %select_n3A_499 = arith.select %gt3A_496, %select_n3A_492, %select_n3A_498 : vector<16xi1>, vector<16xf32>
      %select_n3A_500 = arith.select %gt3A_497, %broadcast_in_dim3A_495, %select_n3A_491 : vector<16xi1>, vector<16xi32>
      %select_n3A_501 = arith.select %gt3A_496, %select_n3A_493, %select_n3A_500 : vector<16xi1>, vector<16xi32>
      %select_n3A_502 = arith.select %gt3A_496, %get3A_350, %select_n3A_492 : vector<16xi1>, vector<16xf32>
      %select_n3A_503 = arith.select %gt3A_496, %broadcast_in_dim3A_495, %select_n3A_493 : vector<16xi1>, vector<16xi32>
      %broadcast_in_dim3A_504 = arith.constant 6 : i32
      %broadcast_in_dim3A_505 = vector.broadcast %broadcast_in_dim3A_504 : i32 to vector<16xi32>
      %gt3A_506 = arith.cmpf ogt, %get3A_355, %select_n3A_502 : vector<16xf32>
      %gt3A_507 = arith.cmpf ogt, %get3A_355, %select_n3A_499 : vector<16xf32>
      %select_n3A_508 = arith.select %gt3A_507, %get3A_355, %select_n3A_499 : vector<16xi1>, vector<16xf32>
      %select_n3A_509 = arith.select %gt3A_506, %select_n3A_502, %select_n3A_508 : vector<16xi1>, vector<16xf32>
      %select_n3A_510 = arith.select %gt3A_507, %broadcast_in_dim3A_505, %select_n3A_501 : vector<16xi1>, vector<16xi32>
      %select_n3A_511 = arith.select %gt3A_506, %select_n3A_503, %select_n3A_510 : vector<16xi1>, vector<16xi32>
      %select_n3A_512 = arith.select %gt3A_506, %get3A_355, %select_n3A_502 : vector<16xi1>, vector<16xf32>
      %select_n3A_513 = arith.select %gt3A_506, %broadcast_in_dim3A_505, %select_n3A_503 : vector<16xi1>, vector<16xi32>
      %broadcast_in_dim3A_514 = arith.constant 7 : i32
      %broadcast_in_dim3A_515 = vector.broadcast %broadcast_in_dim3A_514 : i32 to vector<16xi32>
      %gt3A_516 = arith.cmpf ogt, %get3A_360, %select_n3A_512 : vector<16xf32>
      %gt3A_517 = arith.cmpf ogt, %get3A_360, %select_n3A_509 : vector<16xf32>
      %select_n3A_518 = arith.select %gt3A_517, %get3A_360, %select_n3A_509 : vector<16xi1>, vector<16xf32>
      %select_n3A_519 = arith.select %gt3A_516, %select_n3A_512, %select_n3A_518 : vector<16xi1>, vector<16xf32>
      %select_n3A_520 = arith.select %gt3A_517, %broadcast_in_dim3A_515, %select_n3A_511 : vector<16xi1>, vector<16xi32>
      %select_n3A_521 = arith.select %gt3A_516, %select_n3A_513, %select_n3A_520 : vector<16xi1>, vector<16xi32>
      %select_n3A_522 = arith.select %gt3A_516, %get3A_360, %select_n3A_512 : vector<16xi1>, vector<16xf32>
      %select_n3A_523 = arith.select %gt3A_516, %broadcast_in_dim3A_515, %select_n3A_513 : vector<16xi1>, vector<16xi32>
      %sub3A_524 = arith.subf %select_n3A_522, %max3A_367 : vector<16xf32>
      %exp3A_525 = math.exp %sub3A_524 : vector<16xf32>
      %mul3A_526 = arith.mulf %exp3A_525, %div3A_393 : vector<16xf32>
      %swap3A_527 = arith.constant 0 : i32
      %swap3A_528 = arith.index_cast %swap3A_527 : i32 to index
      %swap3A_529 = arith.index_cast %add3A_320 : i32 to index
      %swap3A_530 = tpu.vector_load %arg8[%swap3A_528, %swap3A_529] {strides = array<i32>} : memref<2x1024xf32, #tpu.memory_space<vmem>>, vector<1x16xf32>,
      %swap3A_531 = vector.shape_cast %swap3A_530 : vector<1x16xf32> to vector<16xf32>
      %swap3A_532 = vector.shape_cast %mul3A_526 : vector<16xf32> to vector<1x16xf32>
      tpu.vector_store %arg8[%swap3A_528, %swap3A_529], %swap3A_532 {strides = array<i32>} : memref<2x1024xf32, #tpu.memory_space<vmem>>, vector<1x16xf32>,
      %sub3A_533 = arith.subf %select_n3A_519, %max3A_367 : vector<16xf32>
      %exp3A_534 = math.exp %sub3A_533 : vector<16xf32>
      %mul3A_535 = arith.mulf %exp3A_534, %div3A_393 : vector<16xf32>
      %swap3A_536 = arith.constant 1 : i32
      %swap3A_537 = arith.index_cast %swap3A_536 : i32 to index
      %swap3A_538 = arith.index_cast %add3A_320 : i32 to index
      %swap3A_539 = tpu.vector_load %arg8[%swap3A_537, %swap3A_538] {strides = array<i32>} : memref<2x1024xf32, #tpu.memory_space<vmem>>, vector<1x16xf32>,
      %swap3A_540 = vector.shape_cast %swap3A_539 : vector<1x16xf32> to vector<16xf32>
      %swap3A_541 = vector.shape_cast %mul3A_535 : vector<16xf32> to vector<1x16xf32>
      tpu.vector_store %arg8[%swap3A_537, %swap3A_538], %swap3A_541 {strides = array<i32>} : memref<2x1024xf32, #tpu.memory_space<vmem>>, vector<1x16xf32>,
      %swap3A_542 = arith.constant 0 : i32
      %swap3A_543 = arith.index_cast %swap3A_542 : i32 to index
      %swap3A_544 = arith.index_cast %add3A_320 : i32 to index
      %swap3A_545 = tpu.vector_load %arg9[%swap3A_543, %swap3A_544] {strides = array<i32>} : memref<2x1024xi32, #tpu.memory_space<vmem>>, vector<1x16xi32>,
      %swap3A_546 = vector.shape_cast %swap3A_545 : vector<1x16xi32> to vector<16xi32>
      %swap3A_547 = vector.shape_cast %select_n3A_523 : vector<16xi32> to vector<1x16xi32>
      tpu.vector_store %arg9[%swap3A_543, %swap3A_544], %swap3A_547 {strides = array<i32>} : memref<2x1024xi32, #tpu.memory_space<vmem>>, vector<1x16xi32>,
      %swap3A_548 = arith.constant 1 : i32
      %swap3A_549 = arith.index_cast %swap3A_548 : i32 to index
      %swap3A_550 = arith.index_cast %add3A_320 : i32 to index
      %swap3A_551 = tpu.vector_load %arg9[%swap3A_549, %swap3A_550] {strides = array<i32>} : memref<2x1024xi32, #tpu.memory_space<vmem>>, vector<1x16xi32>,
      %swap3A_552 = vector.shape_cast %swap3A_551 : vector<1x16xi32> to vector<16xi32>
      %swap3A_553 = vector.shape_cast %select_n3A_521 : vector<16xi32> to vector<1x16xi32>
      tpu.vector_store %arg9[%swap3A_549, %swap3A_550], %swap3A_553 {strides = array<i32>} : memref<2x1024xi32, #tpu.memory_space<vmem>>, vector<1x16xi32>,
    }
    %scan3A_46 = arith.constant 32 : i32
    %dma_start3A_47 = arith.constant 0 : i32
    %dma_start3A_48 = tpu.memref_slice %arg3[%select_n3A, %dma_start3A_47, %mul3A_32] : memref<4x8x8192xf32, #tpu.memory_space<hbm>> -> memref<1x8x1024xf32, #tpu.memory_space<hbm>>
    %dma_start3A_49 = tpu.memref_squeeze %dma_start3A_48 : memref<1x8x1024xf32, #tpu.memory_space<hbm>> -> memref<8x1024xf32, #tpu.memory_space<hbm>>
    %dma_start3A_50 = arith.constant 0 : i32
    %dma_start3A_51 = tpu.memref_slice %arg3[%select_n3A, %dma_start3A_50, %mul3A_32] : memref<4x8x8192xf32, #tpu.memory_space<hbm>> -> memref<1x8x1024xf32, #tpu.memory_space<hbm>>
    %dma_start3A_52 = tpu.memref_squeeze %dma_start3A_51 : memref<1x8x1024xf32, #tpu.memory_space<hbm>> -> memref<8x1024xf32, #tpu.memory_space<hbm>>
    tpu.enqueue_dma source(%arg7 : memref<8x1024xf32, #tpu.memory_space<vmem>>) target(%dma_start3A_52 : memref<8x1024xf32, #tpu.memory_space<hbm>>) target_semaphore(%arg10 : memref<!tpu.dma_semaphore, #tpu.memory_space<semaphore_mem>>)
    %dma_start3A_53 = arith.constant 0 : i32
    %dma_start3A_54 = tpu.memref_slice %arg4[%select_n3A, %dma_start3A_53, %mul3A_32] : memref<4x2x8192xf32, #tpu.memory_space<hbm>> -> memref<1x2x1024xf32, #tpu.memory_space<hbm>>
    %dma_start3A_55 = tpu.memref_squeeze %dma_start3A_54 : memref<1x2x1024xf32, #tpu.memory_space<hbm>> -> memref<2x1024xf32, #tpu.memory_space<hbm>>
    %dma_start3A_56 = arith.constant 0 : i32
    %dma_start3A_57 = tpu.memref_slice %arg4[%select_n3A, %dma_start3A_56, %mul3A_32] : memref<4x2x8192xf32, #tpu.memory_space<hbm>> -> memref<1x2x1024xf32, #tpu.memory_space<hbm>>
    %dma_start3A_58 = tpu.memref_squeeze %dma_start3A_57 : memref<1x2x1024xf32, #tpu.memory_space<hbm>> -> memref<2x1024xf32, #tpu.memory_space<hbm>>
    tpu.enqueue_dma source(%arg8 : memref<2x1024xf32, #tpu.memory_space<vmem>>) target(%dma_start3A_58 : memref<2x1024xf32, #tpu.memory_space<hbm>>) target_semaphore(%arg10 : memref<!tpu.dma_semaphore, #tpu.memory_space<semaphore_mem>>)
    %dma_start3A_59 = arith.constant 0 : i32
    %dma_start3A_60 = tpu.memref_slice %arg5[%select_n3A, %dma_start3A_59, %mul3A_32] : memref<4x2x8192xi32, #tpu.memory_space<hbm>> -> memref<1x2x1024xi32, #tpu.memory_space<hbm>>
    %dma_start3A_61 = tpu.memref_squeeze %dma_start3A_60 : memref<1x2x1024xi32, #tpu.memory_space<hbm>> -> memref<2x1024xi32, #tpu.memory_space<hbm>>
    %dma_start3A_62 = arith.constant 0 : i32
    %dma_start3A_63 = tpu.memref_slice %arg5[%select_n3A, %dma_start3A_62, %mul3A_32] : memref<4x2x8192xi32, #tpu.memory_space<hbm>> -> memref<1x2x1024xi32, #tpu.memory_space<hbm>>
    %dma_start3A_64 = tpu.memref_squeeze %dma_start3A_63 : memref<1x2x1024xi32, #tpu.memory_space<hbm>> -> memref<2x1024xi32, #tpu.memory_space<hbm>>
    tpu.enqueue_dma source(%arg9 : memref<2x1024xi32, #tpu.memory_space<vmem>>) target(%dma_start3A_64 : memref<2x1024xi32, #tpu.memory_space<hbm>>) target_semaphore(%arg10 : memref<!tpu.dma_semaphore, #tpu.memory_space<semaphore_mem>>)
    %dma_wait3A_65 = arith.constant 0 : i32
    %dma_wait3A_66 = tpu.memref_slice %arg3[%select_n3A, %dma_wait3A_65, %mul3A_32] : memref<4x8x8192xf32, #tpu.memory_space<hbm>> -> memref<1x8x1024xf32, #tpu.memory_space<hbm>>
    %dma_wait3A_67 = tpu.memref_squeeze %dma_wait3A_66 : memref<1x8x1024xf32, #tpu.memory_space<hbm>> -> memref<8x1024xf32, #tpu.memory_space<hbm>>
    %dma_wait3A_68 = arith.constant 0 : i32
    %dma_wait3A_69 = tpu.memref_slice %arg3[%select_n3A, %dma_wait3A_68, %mul3A_32] : memref<4x8x8192xf32, #tpu.memory_space<hbm>> -> memref<1x8x1024xf32, #tpu.memory_space<hbm>>
    %dma_wait3A_70 = tpu.memref_squeeze %dma_wait3A_69 : memref<1x8x1024xf32, #tpu.memory_space<hbm>> -> memref<8x1024xf32, #tpu.memory_space<hbm>>
    tpu.wait_dma2 semaphore(%arg10 : memref<!tpu.dma_semaphore, #tpu.memory_space<semaphore_mem>>) src(%arg7 : memref<8x1024xf32, #tpu.memory_space<vmem>>) dst(%dma_wait3A_70 : memref<8x1024xf32, #tpu.memory_space<hbm>>)
    %dma_wait3A_71 = arith.constant 0 : i32
    %dma_wait3A_72 = tpu.memref_slice %arg4[%select_n3A, %dma_wait3A_71, %mul3A_32] : memref<4x2x8192xf32, #tpu.memory_space<hbm>> -> memref<1x2x1024xf32, #tpu.memory_space<hbm>>
    %dma_wait3A_73 = tpu.memref_squeeze %dma_wait3A_72 : memref<1x2x1024xf32, #tpu.memory_space<hbm>> -> memref<2x1024xf32, #tpu.memory_space<hbm>>
    %dma_wait3A_74 = arith.constant 0 : i32
    %dma_wait3A_75 = tpu.memref_slice %arg4[%select_n3A, %dma_wait3A_74, %mul3A_32] : memref<4x2x8192xf32, #tpu.memory_space<hbm>> -> memref<1x2x1024xf32, #tpu.memory_space<hbm>>
    %dma_wait3A_76 = tpu.memref_squeeze %dma_wait3A_75 : memref<1x2x1024xf32, #tpu.memory_space<hbm>> -> memref<2x1024xf32, #tpu.memory_space<hbm>>
    tpu.wait_dma2 semaphore(%arg10 : memref<!tpu.dma_semaphore, #tpu.memory_space<semaphore_mem>>) src(%arg8 : memref<2x1024xf32, #tpu.memory_space<vmem>>) dst(%dma_wait3A_76 : memref<2x1024xf32, #tpu.memory_space<hbm>>)
    %dma_wait3A_77 = arith.constant 0 : i32
    %dma_wait3A_78 = tpu.memref_slice %arg5[%select_n3A, %dma_wait3A_77, %mul3A_32] : memref<4x2x8192xi32, #tpu.memory_space<hbm>> -> memref<1x2x1024xi32, #tpu.memory_space<hbm>>
    %dma_wait3A_79 = tpu.memref_squeeze %dma_wait3A_78 : memref<1x2x1024xi32, #tpu.memory_space<hbm>> -> memref<2x1024xi32, #tpu.memory_space<hbm>>
    %dma_wait3A_80 = arith.constant 0 : i32
    %dma_wait3A_81 = tpu.memref_slice %arg5[%select_n3A, %dma_wait3A_80, %mul3A_32] : memref<4x2x8192xi32, #tpu.memory_space<hbm>> -> memref<1x2x1024xi32, #tpu.memory_space<hbm>>
    %dma_wait3A_82 = tpu.memref_squeeze %dma_wait3A_81 : memref<1x2x1024xi32, #tpu.memory_space<hbm>> -> memref<2x1024xi32, #tpu.memory_space<hbm>>
    tpu.wait_dma2 semaphore(%arg10 : memref<!tpu.dma_semaphore, #tpu.memory_space<semaphore_mem>>) src(%arg9 : memref<2x1024xi32, #tpu.memory_space<vmem>>) dst(%dma_wait3A_82 : memref<2x1024xi32, #tpu.memory_space<hbm>>)
    return
  }
}

module attributes {stable_mosaic.version = 14 : i64} {
  func.func @_logits_body(%arg0: i32, %arg1: memref<1024x2048xf32, #tpu.memory_space<vmem>>, %arg2: memref<8x2048xf32, #tpu.memory_space<vmem>>, %arg3: memref<1x8x1024xf32, #tpu.memory_space<vmem>>) attributes {dimension_semantics = [#tpu.dimension_semantics<arbitrary>], iteration_bounds = array<i64: 32>, scalar_prefetch = 0 : i64, scratch_operands = 0 : i64, tpu.core_type = #tpu.core_type<tc>, window_params = [{transform_indices = @transform_0, window_bounds = array<i64: 1024, 2048>}, {pipeline_mode = #tpu.pipeline_mode<synchronous>, transform_indices = @transform_1, window_bounds = array<i64: 8, 2048>}, {transform_indices = @transform_2, window_bounds = array<i64: 1, 8, 1024>}]} {
    %get3A = arith.constant 0 : index
    %get3A_0 = arith.constant 0 : index
    %get3A_1 = vector.load %arg2[%get3A, %get3A_0] : memref<8x2048xf32, #tpu.memory_space<vmem>>, vector<8x2048xf32>
    %convert_element_type3A = arith.truncf %get3A_1 : vector<8x2048xf32> to vector<8x2048xbf16>
    %get3A_2 = arith.constant 0 : index
    %get3A_3 = arith.constant 0 : index
    %get3A_4 = vector.load %arg1[%get3A_2, %get3A_3] : memref<1024x2048xf32, #tpu.memory_space<vmem>>, vector<1024x2048xf32>
    %convert_element_type3A_5 = arith.truncf %get3A_4 : vector<1024x2048xf32> to vector<1024x2048xbf16>
    %dot_general3A = arith.constant dense<0.000000e+00> : vector<8x1024xf32>
    %dot_general3A_6 = tpu.matmul %convert_element_type3A, %convert_element_type3A_5, %dot_general3A {dimension_numbers = #tpu.dot_dimension_numbers<[1], [1], [0], [0], [0, 0, 1, 0], [], []>, transpose_lhs_hint = false} : vector<8x2048xbf16>, vector<1024x2048xbf16>, vector<8x1024xf32> -> vector<8x1024xf32>
    %reshape3A = vector.shape_cast %dot_general3A_6 : vector<8x1024xf32> to vector<1x8x1024xf32>
    %swap3A = arith.constant 0 : index
    %swap3A_7 = arith.constant 0 : index
    %swap3A_8 = arith.constant 0 : index
    %swap3A_9 = vector.load %arg3[%swap3A, %swap3A_7, %swap3A_8] : memref<1x8x1024xf32, #tpu.memory_space<vmem>>, vector<1x8x1024xf32>
    tpu.vector_store %arg3[%swap3A, %swap3A_7, %swap3A_8], %reshape3A {strides = array<i32>} : memref<1x8x1024xf32, #tpu.memory_space<vmem>>, vector<1x8x1024xf32>,
    return
  }
  func.func @transform_0(%arg0: i32) -> (i32, i32) {
    %c0_i32 = arith.constant 0 : i32
    %c0_i32_0 = arith.constant 0 : i32
    return %arg0, %c0_i32 : i32, i32
  }
  func.func @transform_1(%arg0: i32) -> (i32, i32) {
    %c0_i32 = arith.constant 0 : i32
    %c0_i32_0 = arith.constant 0 : i32
    %c0_i32_1 = arith.constant 0 : i32
    return %c0_i32, %c0_i32_0 : i32, i32
  }
  func.func @transform_2(%arg0: i32) -> (i32, i32, i32) {
    %jit3A = arith.constant 8 : i32
    %div3A = arith.divsi %arg0, %jit3A : i32
    %sign3A = arith.constant 0 : i32
    %sign3A_0 = arith.cmpi sgt, %arg0, %sign3A : i32
    %sign3A_1 = arith.extui %sign3A_0 : i1 to i32
    %sign3A_2 = arith.constant 0 : i32
    %sign3A_3 = arith.cmpi slt, %arg0, %sign3A_2 : i32
    %sign3A_4 = arith.extui %sign3A_3 : i1 to i32
    %sign3A_5 = arith.subi %sign3A_1, %sign3A_4 : i32
    %sign3A_6 = arith.constant 0 : i32
    %sign3A_7 = arith.cmpi sgt, %jit3A, %sign3A_6 : i32
    %sign3A_8 = arith.extui %sign3A_7 : i1 to i32
    %sign3A_9 = arith.constant 0 : i32
    %sign3A_10 = arith.cmpi slt, %jit3A, %sign3A_9 : i32
    %sign3A_11 = arith.extui %sign3A_10 : i1 to i32
    %sign3A_12 = arith.subi %sign3A_8, %sign3A_11 : i32
    %ne3A = arith.cmpi ne, %sign3A_5, %sign3A_12 : i32
    %rem3A = arith.remsi %arg0, %jit3A : i32
    %ne3A_13 = arith.constant 0 : i32
    %ne3A_14 = arith.cmpi ne, %rem3A, %ne3A_13 : i32
    %and3A = arith.andi %ne3A, %ne3A_14 : i1
    %sub3A = arith.constant 1 : i32
    %sub3A_15 = arith.subi %div3A, %sub3A : i32
    %select_n3A = arith.select %and3A, %sub3A_15, %div3A : i32
    %jit3A_16 = arith.constant 8 : i32
    %eq3A = arith.constant 0 : i32
    %eq3A_17 = arith.cmpi eq, %jit3A_16, %eq3A : i32
    %jit3A_18 = arith.constant 1 : i32
    %select_n3A_19 = arith.select %eq3A_17, %jit3A_18, %jit3A_16 : i32
    %rem3A_20 = arith.remsi %arg0, %select_n3A_19 : i32
    %ne3A_21 = arith.constant 0 : i32
    %ne3A_22 = arith.cmpi ne, %rem3A_20, %ne3A_21 : i32
    %lt3A = arith.constant 0 : i32
    %lt3A_23 = arith.cmpi slt, %rem3A_20, %lt3A : i32
    %lt3A_24 = arith.constant 0 : i32
    %lt3A_25 = arith.cmpi slt, %select_n3A_19, %lt3A_24 : i32
    %ne3A_26 = arith.xori %lt3A_23, %lt3A_25 : i1
    %and3A_27 = arith.andi %ne3A_26, %ne3A_22 : i1
    %add3A = arith.addi %rem3A_20, %select_n3A_19 : i32
    %select_n3A_28 = arith.select %and3A_27, %add3A, %rem3A_20 : i32
    %c0_i32 = arith.constant 0 : i32
    %c0_i32_29 = arith.constant 0 : i32
    return %select_n3A, %c0_i32, %select_n3A_28 : i32, i32, i32
  }
}

</mosaic_0001>

<sc_bundles>
// kernel: kernel.4.cloned.1.call-start
scs
__scs_entry_jumppad:
0x0: {  	(pc) =	sbr.rel $0x88, $3  }
0x1: {  	(tag) =	ssettag $0x0;
	lr =	simm.s32 $0x1  }
0x2: {  	[smem:$0x3F9F] =	sst lr;
	_ =	strace $0xD0000000  }
0x3: {  	_ = 	snop  }
0x4: {  	_ = 	snop  }
0x5: {  	_ = 	snop  }
0x6: {  	_ = 	snop  }
0x7: {  	_ = 	snop  }
__scs_overlays_trampoline_lowered:
0x8: {  	[smem:$0x3FAE] =	sst s0  }
0x9: {  	[smem:$0x3FAF] =	sst s1  }
0xa: {  	[smem:$0x3FB0] =	sst s2  }
0xb: {  	[smem:$0x3FB1] =	sst s3  }
0xc: {  	[smem:$0x3FB2] =	sst s4  }
0xd: {  	[smem:$0x3FB3] =	sst s5  }
0xe: {  	[smem:$0x3FB4] =	sst s6  }
0xf: {  	[smem:$0x3FB5] =	sst s7  }
0x10: {  	[smem:$0x3FB6] =	sst s8  }
0x11: {  	[smem:$0x3FB7] =	sst s9;
	s0 =	simm.s32 @!p0 $0x0  }
0x12: {  	s1 =	sld [smem:$0x3F9D];
	s0 =	simm.s32 @p0 $0x1  }
0x13: {  	[smem:$0x3FB8] =	sst s0;
	s0 =	simm.s32 @!p1 $0x0  }
0x14: {  	s2 =	sld [smem:$0x3F9C];
	s0 =	simm.s32 @p1 $0x1  }
0x15: {  	[smem:$0x3FB9] =	sst s0;
	s0 =	simm.s32 @!p2 $0x0  }
0x16: {  	s3 =	sld [smem:$0x3FDB];
	s0 =	simm.s32 @p2 $0x1  }
0x17: {  	s4 =	simm.s32 $0x1BF5;
	[smem:$0x3FBB] =	sst s0  }
0x18: {  	s0 =	sld [smem:$0x3F9E];
	_ =	swait.ge [sflag:s4], $0x0  }
0x19: {  	s7 =	sld [smem:$0x3F9F]  }
0x1a: {  	s8 =	sadd.s32 $0xFFFFE003, lr  }
0x1b: {  	s9 =	sadd.s32 $0xFFFFFEF7, lr;
	s5 =	simm.s32 $0xFFFFFFFF;
	p2 =	slt.u32 s8, $0xFFFFF086  }
0x1c: {  	p1 =	slt.u32 s9, $0xF7A;
	s5 =	simm.s32 @!p2 $0x0  }
0x1d: {  	s5 =	simm.s32 @p1 $0x1;
	p0 =	seq.s32 s7, s2  }
0x1e: {  	s7 =	smul.u32 @!p0 $0xF7A, s2;
	p2 =	seq.s32 @!p0 s5, $0x0  }
0x1f: {  	s9 =	smul.u32 $0xF7A, s1;
	s8 =	simm.s32 @!p0 $0x1BF5;
	p2 =	por !p2, p0  }
0x20: {  	[sflag:s8] =	ssyncset.s32 @!p0 $0xFFFFF086;
	s6 =	sadd.s32 @!p0 s3, s7;
	s7 =	simm.s32 @!p0 $0x108  }
0x21: {  	s3 =	sadd.s32 s3, s9;
	s6 =	sadd.s32 @!p0 $0x88, s6;
	s7 =	simm.s32 @p2 $0x1082  }
0x22: {  	[simem:s7], [sflag:s8] =	dma.local @!p0 [hbm:s6], $0xF7A  }
0x23: {  	s9 =	sor.u32 $0xD0000000, s2;
	s6 =	simm.s32 $0x108;
	_ =	swait.ge @!p0 [sflag:s8], $0x0  }
0x24: {  	s3 =	sadd.s32 $0x88, s3;
	s6 =	simm.s32 @!p1 $0x1082;
	[sflag:s4] =	ssyncset.s32 $0xFFFFF086  }
0x25: {  	[simem:s6], [sflag:s4] =	dma.local [hbm:s3], $0xF7A  }
0x26: {  	[smem:$0x3F9F] =	sst s1;
	(tag) =	ssettag s2;
	_ =	strace s9  }
0x27: {  	s1 =	sld [smem:$0x3FAF]  }
0x28: {  	s2 =	sld [smem:$0x3FB0]  }
0x29: {  	s4 =	sld [smem:$0x3FB2]  }
0x2a: {  	p0 =	seq.s32 s5, $0x0;
	s5 =	sld [smem:$0x3FB3]  }
0x2b: {  	s6 =	sld [smem:$0x3FB4]  }
0x2c: {  	s7 =	sld [smem:$0x3FB5]  }
0x2d: {  	s3 =	simm.s32 $0x108;
	s8 =	sld [smem:$0x3FB6]  }
0x2e: {  	s3 =	simm.s32 @!p0 $0x1082;
	s9 =	sld [smem:$0x3FB7]  }
0x2f: {  	lr =	sadd.s32 s0, s3;
	s0 =	sld [smem:$0x3FAE]  }
0x30: {  	s3 =	sld [smem:$0x3FB1]  }
0x31: {  	[smem:$0x3FBA] =	sst s10  }
0x32: {  	s10 =	sld [smem:$0x3FB8];
	_ =	sdelay $0x3  }
0x33: {  	p0 =	seq.s32 s10, $0x1;
	s10 =	sld [smem:$0x3FBA];
	_ =	sdelay $0x3  }
0x34: {  	[smem:$0x3FBA] =	sst s10  }
0x35: {  	s10 =	sld [smem:$0x3FB9];
	_ =	sdelay $0x3  }
0x36: {  	p1 =	seq.s32 s10, $0x1;
	s10 =	sld [smem:$0x3FBA];
	_ =	sdelay $0x3  }
0x37: {  	[smem:$0x3FBA] =	sst s10  }
0x38: {  	s10 =	sld [smem:$0x3FBB]  }
0x39: {  	_ = 	snop;
	(pc) =	sbr.ind lr, $3  }
0x3a: {  	_ = 	snop  }
0x3b: {  	_ = 	snop  }
0x3c: {  	p2 =	seq.s32 s10, $0x1;
	s10 =	sld [smem:$0x3FBA]  }
0x3d: {  	_ =	shalt  }
0x3e: {  	_ =	shalt  }
0x3f: {  	_ =	shalt  }
0x40: {  	_ =	shalt  }
0x41: {  	_ =	shalt  }
0x42: {  	_ =	shalt  }
0x43: {  	_ =	shalt  }
0x44: {  	_ =	shalt  }
0x45: {  	_ =	shalt  }
0x46: {  	_ =	shalt  }
0x47: {  	_ =	shalt  }
0x48: {  	_ =	shalt  }
0x49: {  	_ =	shalt  }
0x4a: {  	_ =	shalt  }
0x4b: {  	_ =	shalt  }
0x4c: {  	_ =	shalt  }
0x4d: {  	_ =	shalt  }
0x4e: {  	_ =	shalt  }
0x4f: {  	_ =	shalt  }
0x50: {  	_ =	shalt  }
0x51: {  	_ =	shalt  }
0x52: {  	_ =	shalt  }
0x53: {  	_ =	shalt  }
0x54: {  	_ =	shalt  }
0x55: {  	_ =	shalt  }
0x56: {  	_ =	shalt  }
0x57: {  	_ =	shalt  }
0x58: {  	_ =	shalt  }
0x59: {  	_ =	shalt  }
0x5a: {  	_ =	shalt  }
0x5b: {  	_ =	shalt  }
0x5c: {  	_ =	shalt  }
0x5d: {  	_ =	shalt  }
0x5e: {  	_ =	shalt  }
0x5f: {  	_ =	shalt  }
0x60: {  	_ =	shalt  }
0x61: {  	_ =	shalt  }
0x62: {  	_ =	shalt  }
0x63: {  	_ =	shalt  }
0x64: {  	_ =	shalt  }
0x65: {  	_ =	shalt  }
0x66: {  	_ =	shalt  }
0x67: {  	_ =	shalt  }
0x68: {  	_ =	shalt  }
0x69: {  	_ =	shalt  }
0x6a: {  	_ =	shalt  }
0x6b: {  	_ =	shalt  }
0x6c: {  	_ =	shalt  }
0x6d: {  	_ =	shalt  }
0x6e: {  	_ =	shalt  }
0x6f: {  	_ =	shalt  }
0x70: {  	_ =	shalt  }
0x71: {  	_ =	shalt  }
0x72: {  	_ =	shalt  }
0x73: {  	_ =	shalt  }
0x74: {  	_ =	shalt  }
0x75: {  	_ =	shalt  }
0x76: {  	_ =	shalt  }
0x77: {  	_ =	shalt  }
0x78: {  	_ =	shalt  }
0x79: {  	_ =	shalt  }
0x7a: {  	_ =	shalt  }
0x7b: {  	_ =	shalt  }
0x7c: {  	_ =	shalt  }
0x7d: {  	_ =	shalt  }
0x7e: {  	_ =	shalt  }
0x7f: {  	_ =	shalt  }
0x80: {  	_ =	shalt  }
0x81: {  	_ =	shalt  }
0x82: {  	_ =	shalt  }
0x83: {  	_ =	shalt  }
0x84: {  	_ =	shalt  }
0x85: {  	_ =	shalt  }
0x86: {  	_ =	shalt  }
0x87: {  	_ =	shalt  }
.Lfunc_end0:
.L_simem_size_0:
called_computation_lowered:
.L_overlay_start_0:
0x88: {  	s2 =	sld [smem:$0x3FD9]  }
0x89: {  	s3 =	sld [smem:$0x3FFE];
	_ =	sdelay $0x1  }
0x8a: {  	s1 =	srdreg.scid  }
0x8b: {  	s0 =	sand.u32 $0x1, s1  }
0x8c: {  	s15 =	sshll.u32 s0, $0xA;
	s2 =	sadd.s32 s3, s2  }
0x8d: {  	s2 =	sadd.s32 s2, s15  }
0x8e: {  	[smem:$0x3FC6] =	sst s2  }
0x8f: {  	_ = 	snop  }
0x90: {  	s2 =	sld [smem:$0x3FD0];
	_ =	sdelay $0x2  }
0x91: {  	s16 =	simm.s32 $0xA;
	s4 =	simm.s32 $0x10  }
0x92: {  	[smem:s4], [sflag:s16] =	dma.local [hbm:s2], $0x1  }
0x93: {  	_ =	swait.eq [sflag:s16], $0x1  }
0x94: {  	s17 =	sld [smem:$0x10]  }
0x95: {  	s18 =	sld [smem:$0x11];
	[sflag:s16] =	ssyncset.done $0x0  }
0x96: {  	s5 =	sld [smem:$0x12];
	[sflag:s16] =	ssyncadd.s32 $0xFFFFFFFF  }
0x97: {  	s19 =	sld [smem:$0x13];
	(tm) =	ssettm $0x1  }
0x98: {  	s6 =	sld [smem:$0x3FFB];
	_ =	sdelay $0x3  }
0x99: {  	_ =	strace s6  }
0x9a: {  	s6 =	sld [smem:$0x3FFC];
	_ =	sdelay $0x3  }
0x9b: {  	_ =	strace s6  }
0x9c: {  	s6 =	sld [smem:$0x3FFD];
	_ =	sdelay $0x3  }
0x9d: {  	_ =	strace s6  }
0x9e: {  	_ =	strace $0x8FFFFFFF  }
0x9f: {  	s20 =	sld [smem:$0x3FDB];
	_ =	sdelay $0x1  }
0xa0: {  	s7 =	simm.s32 $_scs_section_size  }
0xa1: {  	s8 =	simm.s32 $_size__tile_overlayer_lowered;
	s9 =	simm.s32 $_tile_overlayer_lowered  }
0xa2: {  	s23 =	simm.s32 $0x1BFF;
	s22 =	sshll.u32 s9, $0x1;
	s6 =	sadd.s32 s7, s20  }
0xa3: {  	s10 =	simm.s32 $0x0;
	s21 =	sshll.u32 s8, $0x1;
	s8 =	sadd.s32 s22, s6  }
0xa4: {  	[timem:s10], [sflag:s23] =	dma.local [hbm:s8], s21  }
0xa5: {  	_ =	swait.ge [sflag:s23], s21  }
0xa6: {  	s7 =	ssub.s32 $0x0, s21;
	[sflag:s23] =	ssyncset.done $0x0  }
0xa7: {  	[sflag:s23] =	ssyncadd.s32 s7;
	_ =	sdelay $0x1  }
0xa8: {  	s24 =	simm.s32 $0x1B8B  }
0xa9: {  	_ =	swait.ge [sflag:s24], $0x1  }
0xaa: {  	[sflag:s24] =	ssyncset.done $0x0  }
0xab: {  	s25 =	simm.s32 $0x1B8E;
	[sflag:s24] =	ssyncadd.s32 $0xFFFFFFFF  }
0xac: {  	s26 =	simm.s32 $execute0_lowered;
	[smem:$0x3FD2] =	sst s25  }
0xad: {  	s7 =	sshll.u32 s26, $0x1;
	_ =	strace $0x80000046;
	[dreg:$0x1] =	wrdreg $0xFFFFFFFF  }
0xae: {  	s28 =	simm.s32 $_size_execute0_lowered;
	s6 =	sadd.s32 s6, s7;
	[dreg:$0x0] =	wrdreg $0x0  }
0xaf: {  	s7 =	sshll.u32 s28, $0x1;
	[dreg:$0x2] =	wrdreg s6  }
0xb0: {  	[dreg:$0x3] =	wrdreg s7  }
0xb1: {  	[dreg:$0x4] =	wrdreg $0xC0  }
0xb2: {  	_ =	task [dreg:s10], $0x5FFFF  }
0xb3: {  	[dreg:$0x1] =	wrdreg $0xFFFFFFFF  }
0xb4: {  	[dreg:$0x0] =	wrdreg $0x60  }
0xb5: {  	[dreg:$0x2] =	wrdreg s19  }
0xb6: {  	[dreg:$0x3] =	wrdreg s5  }
0xb7: {  	[dreg:$0x4] =	wrdreg s17  }
0xb8: {  	[dreg:$0x5] =	wrdreg s18  }
0xb9: {  	[dreg:$0x6] =	wrdreg $0x9  }
0xba: {  	_ =	task.clear_ibuf [dreg:s10], $0x7FFFF;
	_ =	strace $0x90000046  }
0xbb: {  	s29 =	simm.s32 $0x9;
	_ =	strace $0x80000048  }
0xbc: {  	_ =	swait.ge [sflag:s29], $0x1  }
0xbd: {  	[sflag:s29] =	ssyncadd.s32 $0xFFFFFFFF  }
0xbe: {  	_ =	strace $0x90000048  }
0xbf: {  	_ =	sfence  }
0xc0: {  	s30 =	sld [smem:$0x0];
	_ =	sdelay $0x2  }
0xc1: {  	s31 =	sshll.u32 s1, $0xD;
	s1 =	sshrl.u32 s1, $0x2  }
0xc2: {  	s3 =	sand.u32 $0x4000, s31;
	s1 =	sadd.s32 s1, s30  }
0xc3: {  	s0 =	sor.u32 s3, s0;
	s1 =	sshll.u32 s1, $0x11  }
0xc4: {  	s0 =	sor.u32 s1, s0  }
0xc5: {  	s0 =	sadd.s32 $0x8F2B, s0  }
0xc6: {  	[sflag:s0] =	ssyncadd.remote.s32 $0x1  }
0xc7: {  	_ =	sfence.sel $0xFFFF  }
0xc8: {  	[dreg:$0x0] =	wrdreg $0xFFFFFFFF;
	(pc) =	sbr.abs _section_cstart, $3  }
0xc9: {  	[dreg:$0x1] =	wrdreg $0xFFFFFFFF  }
0xca: {  	_ =	task.clear_ibuf [dreg:s10], $0x2FFFF;
	_ =	strace $0x9FFFFFFF  }
0xcb: {  	(tm) =	ssettm $0x7FFFFFFF  }
tec
execute0_lowered:
.L_overlay_start_1:
0x0: {  	(tag) =	ssettag $0x1  }
0x1: {  	s3 =	rddreg [dreg:$0x0]  }
0x2: {  	s4 =	rddreg [dreg:$0x1]  }
0x3: {  	s5 =	rddreg [dreg:$0x2]  }
0x4: {  	s6 =	rddreg [dreg:$0x3]  }
0x5: {  	s0 =	rddreg [dreg:$0x4];
	s2 =	simm.s32 $0x0;
	s1 =	stileid.u32  }
0x6: {  	s7 =	srdreg.scid;
	[smem:$0x7FF] =	sst s2;
	s8 =	sshll.u32 s1, $0x1  }
0x7: {  	s7 =	sand.u32 $0x1, s7;
	s10 =	sshrl.u32 s1, $0x2;
	_ =	strace $0x80000047  }
0x8: {  	s8 =	sand.u32 $0x6, s8;
	s9 =	ssub.s32 $0x2, s7;
	s11 =	sshll.u32 s10, $0xD  }
0x9: {  	s10 =	sshll.u32 s10, $0xB;
	s7 =	sor.u32 s7, s8;
	s31 =	sshrl.u32 s9, $0x1  }
0xa: {  	s12 =	sshll.u32 s7, $0xA;
	s7 =	sshll.u32 s7, $0x8;
	s8 =	ssub.s32 s9, s31  }
0xb: {  	s9 =	simm.s32 $0x2000;
	s11 =	sor.u32 s11, s12;
	s7 =	sor.u32 s10, s7  }
0xc: {  	s10 =	simm.s32 $0x4000;
	s12 =	simm.s32 $0x0;
	s3 =	sadd.s32 s3, s11  }
0xd: {  	s4 =	sadd.s32 s4, s11;
	s5 =	sadd.s32 s5, s7;
	s6 =	sadd.s32 s6, s7  }
0xe: {  	v0 =	vimm.s32 $0x0;
	s7 =	smax.u32 s8, $0x1;
	s8 =	simm.s32 $0x1;
	s11 =	simm.s32 $0x4800  }
.LBB2_1:
0xf: {  	[tilespmem:s2], [sflag:$0x1] =	stream.linear.gather [hbm4b:s3+s2], $0x2000, $0x38;
	[tilespmem:$0x5000] =	vst v63  }
0x10: {  	_ =	swait.ge [sflag:s8], $0x2000  }
0x11: {  	[sflag:s8] =	ssyncset.done $0x0  }
0x12: {  	s13 =	simm.s32 $0x0;
	s14 =	simm.s32 $0x0;
	[sflag:s8] =	ssyncadd.s32 $0xFFFFE000  }
.LBB2_2:
0x13: {  	s15 =	sshrl.u32 s14, $0x2  }
0x14: {  	s17 =	sand.u32 $0x60, s13;
	s16 =	sshll.u32 s15, $0xA  }
0x15: {  	s18 =	sor.u32 s17, s16  }
0x16: {  	v1 =	vld [tilespmem:s18+$0x0]  }
0x17: {  	v2 =	vld [tilespmem:s18+$0x80]  }
0x18: {  	v3 =	vld [tilespmem:s18+$0x100]  }
0x19: {  	v4 =	vld [tilespmem:s18+$0x180]  }
0x1a: {  	v5 =	vld [tilespmem:s18+$0x200]  }
0x1b: {  	s19 =	sor.u32 s16, s13;
	v6 =	vld [tilespmem:s18+$0x280]  }
0x1c: {  	v7 =	vld [tilespmem:s18+$0x300];
	s19 =	sor.u32 $0x380, s19;
	v8 =	vmax.f32 v1, v2  }
0x1d: {  	v9 =	vld [tilespmem:s19+$0x0];
	v8 =	vmax.f32 v8, v3  }
0x1e: {  	v8 =	vmax.f32 v8, v4  }
0x1f: {  	v8 =	vmax.f32 v8, v5  }
0x20: {  	v8 =	vmax.f32 v8, v6  }
0x21: {  	v8 =	vmax.f32 v8, v7  }
0x22: {  	v8 =	vmax.f32 v8, v9  }
0x23: {  	v10 =	vsub.f32 v1, v8  }
0x24: {  	v11 =	vsub.f32 v2, v8  }
0x25: {  	v10 =	vmul.f32 $1.442695020e+00, v10  }
0x26: {  	v12 =	vsub.f32 v3, v8;
	v11 =	vmul.f32 $1.442695020e+00, v11  }
0x27: {  	(erf) = vpow2.f32 v10  }
0x28: {  	v49 =	vsub.f32 v4, v8;
	v48 =	vmul.f32 $1.442695020e+00, v12;
	(erf) = vpow2.f32 v11  }
0x29: {  	vm1 =	vlt.f32 v2, $-Inf;
	vm2 =	vgt.f32 v2, $-Inf  }
0x2a: {  	v50 =	vsub.f32 v5, v8;
	v51 =	vmul.f32 $1.442695020e+00, v49;
	(erf) = vpow2.f32 v48  }
0x2b: {  	vm0 =	vgt.f32 v2, v1;
	vm1 =	vmor vm2, vm1  }
0x2c: {  	v52 =	vsub.f32 v6, v8;
	v12 =	vmul.f32 $1.442695020e+00, v50;
	(erf) = vpow2.f32 v51  }
0x2d: {  	vm5 =	vmneg vm0;
	v14 =	vnsel vm1, $0xFF800000, v2  }
0x2e: {  	v54 =	vsub.f32 v7, v8;
	v53 =	vmul.f32 $1.442695020e+00, v52;
	(erf) = vpow2.f32 v12  }
0x2f: {  	v14 =	vsel vm5, v14, v1  }
0x30: {  	v55 =	vsub.f32 v9, v8;
	v10 =	vmul.f32 $1.442695020e+00, v54;
	(erf) = vpow2.f32 v53;
	v56 =	vpop (erf)  }
0x31: {  	vm9 =	vgt.f32 v3, v14;
	v13 =	vpop (erf)  }
0x32: {  	v11 =	vmul.f32 $1.442695020e+00, v55;
	(erf) = vpow2.f32 v10;
	v57 =	vadd.f32 v13, v56  }
0x33: {  	v58 =	vsel vm9, v3, v14;
	v1 =	vsel vm5, v1, v2;
	v15 =	vpop (erf)  }
0x34: {  	vm2 =	vgt.f32 v3, v1;
	(erf) = vpow2.f32 v11;
	v2 =	vadd.f32 v57, v15  }
0x35: {  	v10 =	vsel vm2, v1, v58;
	v59 =	vpop (erf)  }
0x36: {  	v1 =	vsel vm2, v3, v1;
	vm10 =	vgt.f32 v4, v10;
	v2 =	vadd.f32 v2, v59  }
0x37: {  	vm3 =	vgt.f32 v4, v1;
	v10 =	vsel vm10, v4, v10;
	v3 =	vpop (erf)  }
0x38: {  	v10 =	vsel vm3, v1, v10;
	v2 =	vadd.f32 v2, v3  }
0x39: {  	v1 =	vsel vm3, v4, v1;
	v60 =	vpop (erf);
	vm12 =	vgt.f32 v5, v10  }
0x3a: {  	vm6 =	vgt.f32 v5, v1;
	v61 =	vsel vm12, v5, v10;
	v2 =	vadd.f32 v2, v60  }
0x3b: {  	v4 =	vsel vm6, v1, v61;
	v62 =	vpop (erf)  }
0x3c: {  	v1 =	vsel vm6, v5, v1;
	vm14 =	vgt.f32 v6, v4;
	v2 =	vadd.f32 v2, v62  }
0x3d: {  	vm4 =	vgt.f32 v6, v1;
	v4 =	vsel vm14, v6, v4;
	v63 =	vpop (erf)  }
0x3e: {  	v4 =	vsel vm4, v1, v4;
	v2 =	vadd.f32 v2, v63  }
0x3f: {  	v1 =	vsel vm4, v6, v1;
	vm11 =	vgt.f32 v7, v4  }
0x40: {  	vm8 =	vgt.f32 v7, v1;
	(erf) = vrcp.f32 v2;
	v2 =	vsel vm11, v7, v4  }
0x41: {  	v2 =	vsel vm8, v1, v2;
	v1 =	vsel vm8, v7, v1  }
0x42: {  	vm7 =	vgt.f32 v9, v1;
	vm13 =	vgt.f32 v9, v2  }
0x43: {  	v2 =	vsel vm13, v9, v2;
	v9 =	vsel vm7, v9, v1  }
0x44: {  	v1 =	vsel vm7, v1, v2;
	v2 =	vsub.f32 v9, v8;
	_ =	sdelay $0x1  }
0x45: {  	v1 =	vsub.f32 v1, v8;
	v2 =	vmul.f32 $1.442695020e+00, v2;
	_ =	sdelay $0x1  }
0x46: {  	v1 =	vmul.f32 $1.442695020e+00, v1  }
0x47: {  	(erf) = vpow2.f32 v2  }
0x48: {  	vm1 =	vmand vm5, vm1;
	(erf) = vpow2.f32 v1;
	v2 =	vpop (erf)  }
0x49: {  	v12 =	vsel vm1, $0x1, v0;
	v1 =	vmul.f32 v2, v56  }
0x4a: {  	v17 =	vsel vm0, $0x1, v0;
	v4 =	vsel vm9, $0x2, v12;
	v16 =	vmul.f32 v2, v13  }
0x4b: {  	v4 =	vsel vm2, v17, v4;
	[tilespmem:s18+$0x2000] =	vst v1;
	v1 =	vmul.f32 v2, v15  }
0x4c: {  	v7 =	vsel vm2, $0x2, v17;
	v4 =	vsel vm10, $0x3, v4;
	v18 =	vmul.f32 v2, v59;
	[tilespmem:s18+$0x2080] =	vst v16  }
0x4d: {  	[tilespmem:s18+$0x2100] =	vst v1;
	v1 =	vmul.f32 v2, v3;
	v3 =	vsel vm3, v7, v4  }
0x4e: {  	v20 =	vsel vm3, $0x3, v7;
	v19 =	vmul.f32 v2, v60;
	[tilespmem:s18+$0x2180] =	vst v18;
	v3 =	vsel vm12, $0x4, v3  }
0x4f: {  	[tilespmem:s18+$0x2200] =	vst v1;
	v1 =	vmul.f32 v2, v62;
	v3 =	vsel vm6, v20, v3  }
0x50: {  	v22 =	vsel vm6, $0x4, v20;
	v21 =	vmul.f32 v2, v63;
	[tilespmem:s18+$0x2280] =	vst v19;
	v23 =	vpop (erf);
	v3 =	vsel vm14, $0x5, v3  }
0x51: {  	s15 =	sshll.u32 s15, $0x8;
	v24 =	vpop (erf);
	[tilespmem:s18+$0x2300] =	vst v1;
	v1 =	vsel vm4, v22, v3;
	v3 =	vmul.f32 v2, v23  }
0x52: {  	s31 =	sor.u32 s17, s15;
	v25 =	vsel vm4, $0x5, v22;
	v2 =	vmul.f32 v24, v2;
	[tilespmem:s19+$0x2000] =	vst v21;
	v1 =	vsel vm11, $0x6, v1  }
0x53: {  	v4 =	vsel vm8, $0x6, v25;
	v1 =	vsel vm8, v25, v1;
	[tilespmem:s31+$0x4000] =	vst v3  }
0x54: {  	v3 =	vsel vm7, $0x7, v4;
	[tilespmem:s31+$0x4080] =	vst v2;
	v1 =	vsel vm13, $0x7, v1  }
0x55: {  	s17 =	sor.u32 $0x10, s17;
	[tilespmem:s31+$0x4800] =	vst v3;
	v1 =	vsel vm7, v4, v1  }
0x56: {  	s16 =	sor.u32 s16, s17;
	[tilespmem:s31+$0x4880] =	vst v1  }
0x57: {  	v1 =	vld [tilespmem:s16+$0x0]  }
0x58: {  	v2 =	vld [tilespmem:s16+$0x80]  }
0x59: {  	v3 =	vld [tilespmem:s16+$0x100]  }
0x5a: {  	v26 =	vld [tilespmem:s16+$0x180]  }
0x5b: {  	v27 =	vld [tilespmem:s16+$0x200]  }
0x5c: {  	v28 =	vld [tilespmem:s16+$0x280]  }
0x5d: {  	v29 =	vld [tilespmem:s16+$0x300];
	v30 =	vmax.f32 v1, v2  }
0x5e: {  	v31 =	vld [tilespmem:s16+$0x380];
	v8 =	vmax.f32 v30, v3  }
0x5f: {  	v8 =	vmax.f32 v8, v26  }
0x60: {  	v8 =	vmax.f32 v8, v27  }
0x61: {  	v8 =	vmax.f32 v8, v28  }
0x62: {  	v8 =	vmax.f32 v8, v29  }
0x63: {  	v8 =	vmax.f32 v8, v31  }
0x64: {  	v32 =	vsub.f32 v1, v8  }
0x65: {  	v33 =	vsub.f32 v2, v8  }
0x66: {  	v10 =	vmul.f32 $1.442695020e+00, v32  }
0x67: {  	v34 =	vsub.f32 v3, v8;
	v11 =	vmul.f32 $1.442695020e+00, v33  }
0x68: {  	(erf) = vpow2.f32 v10  }
0x69: {  	v36 =	vsub.f32 v26, v8;
	v35 =	vmul.f32 $1.442695020e+00, v34;
	(erf) = vpow2.f32 v11  }
0x6a: {  	vm14 =	vlt.f32 v2, $-Inf;
	vm15 =	vgt.f32 v2, $-Inf  }
0x6b: {  	v37 =	vsub.f32 v27, v8;
	v38 =	vmul.f32 $1.442695020e+00, v36;
	(erf) = vpow2.f32 v35  }
0x6c: {  	vm0 =	vgt.f32 v2, v1;
	vm1 =	vmor vm15, vm14  }
0x6d: {  	v39 =	vsub.f32 v28, v8;
	v12 =	vmul.f32 $1.442695020e+00, v37;
	(erf) = vpow2.f32 v38  }
0x6e: {  	vm3 =	vmneg vm0;
	v45 =	vnsel vm1, $0xFF800000, v2  }
0x6f: {  	v41 =	vsub.f32 v29, v8;
	v40 =	vmul.f32 $1.442695020e+00, v39;
	(erf) = vpow2.f32 v12  }
0x70: {  	v14 =	vsel vm3, v45, v1  }
0x71: {  	v42 =	vsub.f32 v31, v8;
	v10 =	vmul.f32 $1.442695020e+00, v41;
	(erf) = vpow2.f32 v40;
	v43 =	vpop (erf)  }
0x72: {  	vm9 =	vgt.f32 v3, v14;
	v44 =	vpop (erf)  }
0x73: {  	v11 =	vmul.f32 $1.442695020e+00, v42;
	(erf) = vpow2.f32 v10;
	v46 =	vadd.f32 v44, v43  }
0x74: {  	v48 =	vsel vm9, v3, v14;
	v1 =	vsel vm3, v1, v2;
	v47 =	vpop (erf)  }
0x75: {  	vm2 =	vgt.f32 v3, v1;
	(erf) = vpow2.f32 v11;
	v2 =	vadd.f32 v46, v47  }
0x76: {  	v10 =	vsel vm2, v1, v48;
	v49 =	vpop (erf)  }
0x77: {  	v1 =	vsel vm2, v3, v1;
	vm11 =	vgt.f32 v26, v10;
	v2 =	vadd.f32 v2, v49  }
0x78: {  	vm4 =	vgt.f32 v26, v1;
	v10 =	vsel vm11, v26, v10;
	v3 =	vpop (erf)  }
0x79: {  	v10 =	vsel vm4, v1, v10;
	v2 =	vadd.f32 v2, v3  }
0x7a: {  	v1 =	vsel vm4, v26, v1;
	vm13 =	vgt.f32 v27, v10;
	v50 =	vpop (erf)  }
0x7b: {  	vm7 =	vgt.f32 v27, v1;
	v51 =	vsel vm13, v27, v10;
	v2 =	vadd.f32 v2, v50  }
0x7c: {  	v4 =	vsel vm7, v1, v51;
	v52 =	vpop (erf)  }
0x7d: {  	v1 =	vsel vm7, v27, v1;
	vm14 =	vgt.f32 v28, v4;
	v2 =	vadd.f32 v2, v52  }
0x7e: {  	vm5 =	vgt.f32 v28, v1;
	v4 =	vsel vm14, v28, v4;
	v53 =	vpop (erf)  }
0x7f: {  	v4 =	vsel vm5, v1, v4;
	v2 =	vadd.f32 v2, v53  }
0x80: {  	v1 =	vsel vm5, v28, v1;
	vm10 =	vgt.f32 v29, v4  }
0x81: {  	vm8 =	vgt.f32 v29, v1;
	(erf) = vrcp.f32 v2;
	v2 =	vsel vm10, v29, v4  }
0x82: {  	v2 =	vsel vm8, v1, v2;
	v1 =	vsel vm8, v29, v1  }
0x83: {  	vm6 =	vgt.f32 v31, v1;
	vm12 =	vgt.f32 v31, v2  }
0x84: {  	v2 =	vsel vm12, v31, v2;
	v54 =	vsel vm6, v31, v1  }
0x85: {  	v1 =	vsel vm6, v1, v2;
	v2 =	vsub.f32 v54, v8;
	_ =	sdelay $0x1  }
0x86: {  	v1 =	vsub.f32 v1, v8;
	v2 =	vmul.f32 $1.442695020e+00, v2;
	_ =	sdelay $0x1  }
0x87: {  	v1 =	vmul.f32 $1.442695020e+00, v1  }
0x88: {  	(erf) = vpow2.f32 v2  }
0x89: {  	vm1 =	vmand vm3, vm1;
	v2 =	vpop (erf);
	(erf) = vpow2.f32 v1  }
0x8a: {  	v1 =	vsel vm1, $0x1, v0;
	v55 =	vmul.f32 v2, v43  }
0x8b: {  	v56 =	vsel vm0, $0x1, v0;
	v1 =	vsel vm9, $0x2, v1;
	v57 =	vmul.f32 v2, v44  }
0x8c: {  	v58 =	vmul.f32 v2, v47;
	v1 =	vsel vm2, v56, v1;
	[tilespmem:s16+$0x2000] =	vst v55  }
0x8d: {  	v6 =	vsel vm2, $0x2, v56;
	v59 =	vmul.f32 v2, v49;
	v1 =	vsel vm11, $0x3, v1;
	[tilespmem:s16+$0x2080] =	vst v57  }
0x8e: {  	v3 =	vmul.f32 v2, v3;
	[tilespmem:s16+$0x2100] =	vst v58;
	v1 =	vsel vm4, v6, v1  }
0x8f: {  	v60 =	vsel vm4, $0x3, v6;
	v61 =	vmul.f32 v2, v50;
	[tilespmem:s16+$0x2180] =	vst v59;
	v1 =	vsel vm13, $0x4, v1  }
0x90: {  	[tilespmem:s16+$0x2200] =	vst v3;
	v3 =	vmul.f32 v2, v52;
	v1 =	vsel vm7, v60, v1  }
0x91: {  	v4 =	vsel vm7, $0x4, v60;
	v5 =	vmul.f32 v2, v53;
	[tilespmem:s16+$0x2280] =	vst v61;
	v1 =	vsel vm14, $0x5, v1;
	v62 =	vpop (erf)  }
0x92: {  	p0 =	sne.s32 s14, $0x1F;
	[tilespmem:s16+$0x2300] =	vst v3;
	v1 =	vsel vm5, v4, v1;
	v3 =	vmul.f32 v2, v62;
	v63 =	vpop (erf)  }
.Ltmp0:
0x93: {  	s15 =	sor.u32 s15, s17;
	[tilespmem:s16+$0x2380] =	vst v5;
	v4 =	vsel vm5, $0x5, v4;
	v1 =	vsel vm10, $0x6, v1;
	v2 =	vmul.f32 v63, v2;
	(pc) =	sbr.rel @p0 .LBB2_2-.Ltmp0, $4  }
0x94: {  	v1 =	vsel vm8, v4, v1;
	v4 =	vsel vm8, $0x6, v4;
	[tilespmem:s15+$0x4000] =	vst v3  }
0x95: {  	v1 =	vsel vm12, $0x7, v1;
	v3 =	vsel vm6, $0x7, v4;
	[tilespmem:s15+$0x4080] =	vst v2  }
0x96: {  	v1 =	vsel vm6, v4, v1;
	[tilespmem:s15+$0x4800] =	vst v3  }
0x97: {  	s14 =	sadd.s32 $0x1, s14;
	s13 =	sadd.s32 $0x20, s13;
	[tilespmem:s15+$0x4880] =	vst v1  }
0x98: {  	[hbm4b:s4+s2] =	stream.linear.scatter [tilespmem:s9], [sflag:$0x1], $0x2000, $0x38;
	[tilespmem:$0x5000] =	vst v63  }
0x99: {  	_ = 	snop  }
0x9a: {  	[hbm4b:s5+s2] =	stream.linear.scatter [tilespmem:s10], [sflag:$0x1], $0x800, $0x38;
	[tilespmem:$0x5000] =	vst v63  }
0x9b: {  	_ = 	snop  }
0x9c: {  	[hbm4b:s6+s2] =	stream.linear.scatter [tilespmem:s11], [sflag:$0x1], $0x800, $0x38;
	[tilespmem:$0x5000] =	vst v63  }
0x9d: {  	_ =	swait.ge [sflag:s8], $0x2000  }
0x9e: {  	[sflag:s8] =	ssyncset.done $0x0  }
0x9f: {  	s12 =	sadd.s32 $0x1, s12;
	[sflag:s8] =	ssyncadd.s32 $0xFFFFE000  }
0xa0: {  	p0 =	sne.s32 s12, s7;
	_ =	swait.ge [sflag:s8], $0x800  }
.Ltmp1:
0xa1: {  	[sflag:s8] =	ssyncset.done $0x0;
	(pc) =	sbr.rel @p0 .LBB2_1-.Ltmp1, $4  }
0xa2: {  	[sflag:s8] =	ssyncadd.s32 $0xFFFFF800  }
0xa3: {  	_ =	swait.ge [sflag:s8], $0x800  }
0xa4: {  	[sflag:s8] =	ssyncset.done $0x0  }
0xa5: {  	[sflag:s8] =	ssyncadd.s32 $0xFFFFF800  }
0xa6: {  	_ =	sfence.sel $0x180000  }
0xa7: {  	[bflag:$0x0] =	sbarrier.arrive $0xFFFF  }
0xa8: {  	p0 =	sne.s32 s1, $0x0;
	_ =	strace $0x90000047  }
0xa9: {  	s0 =	sadd.s32 @!p0 $0x100000, s0;
	[bflag:$0x2] =	sbarrier.arrive $0xFFFF  }
0xaa: {  	[sflag:s0] =	ssyncadd.tile.s32 @!p0 $0x1;
	_ =	shalt  }
.Lfunc_end2:
_tile_overlayer_lowered:
.L_overlay_start_2:
0xab: {  	(tag) =	ssettag $0x2  }
0xac: {  	s0 =	rddreg [dreg:$0x0];
	s2 =	stileid.u32  }
0xad: {  	s1 =	rddreg [dreg:$0x1];
	p0 =	sne.s32 s2, $0x0  }
0xae: {  	s3 =	rddreg [dreg:$0x2];
	[bflag:$0x3] =	sbarrier.arrive $0xFFFF;
	s2 =	simm.s32 @!p0 $0x1C02  }
0xaf: {  	[timem:s3], [sflag:s2] =	dma.local @!p0 [hbm:s0], s1  }
0xb0: {  	s0 =	simm.s32 @!p0 $0x2  }
0xb1: {  	_ =	swait.ge @!p0 [sflag:s0], s1  }
0xb2: {  	s1 =	ssub.s32 @!p0 $0x0, s1;
	[sflag:s0] =	ssyncset.done @!p0 $0x0  }
0xb3: {  	[sflag:s0] =	ssyncadd.s32 @!p0 s1  }
0xb4: {  	[bflag:$0x3] =	sbarrier.arrive $0xFFFF  }
0xb5: {  	_ =	shalt  }

</sc_bundles>
